<compile_context>
chip_gen: v7x
topology: tpu7x:2x2x1
jax: 0.10.2.dev20260603
libtpu: 0.0.44.dev20260713+nightly
codegen_flags: <defaults>
</compile_context>

<pallas_src>
import functools

import jax
import jax.numpy as jnp
from jax import lax
from jax.experimental import pallas as pl
from jax.experimental.pallas import tpu as pltpu
from jax.experimental.pallas import tpu_sc as plsc

ITEM_NUM = 1000000
EMB = 64
MAX_LEN = 200
BATCH = 4096

_INFO = plsc.get_sparse_core_info()
_NC = _INFO.num_cores
_NS = _INFO.num_subcores
_NW = _NC * _NS
_L = 16

_PAD_ITEMS = 1000064
_W = 80
_TCOLS = _PAD_ITEMS // 128
_K1_ITERS = (_TCOLS + _NW - 1) // _NW


def _make_k1():
    mesh = plsc.VectorSubcoreMesh(core_axis_name="c", subcore_axis_name="s")

    @functools.partial(
        pl.kernel,
        out_type=jax.ShapeDtypeStruct((_PAD_ITEMS * _W,), jnp.float32),
        mesh=mesh,
        scratch_types=[
            pltpu.VMEM((EMB, 128), jnp.float32),
            pltpu.VMEM((EMB, 128), jnp.float32),
            pltpu.VMEM((128 * _W,), jnp.float32),
            pltpu.SemaphoreType.DMA,
            pltpu.SemaphoreType.DMA,
        ],
        compiler_params=pltpu.CompilerParams(
            disable_bounds_checks=True, needs_layout_passes=False),
    )
    def k1(tabT_hbm, out_hbm, stg_a, stg_b, outv, sem_a, sem_b):
        wid = lax.axis_index("s") * _NC + lax.axis_index("c")
        tok_w = [(lax.iota(jnp.int32, _L) + _L * t) * _W for t in range(128 // _L)]

        def stage_start(c, buf, sem):
            pltpu.async_copy(tabT_hbm.at[:, pl.ds(c * 128, 128)], buf, sem)

        def stage_wait(c, buf, sem):
            pltpu.make_async_copy(tabT_hbm.at[:, pl.ds(c * 128, 128)],
                                  buf, sem).wait()

        def transpose_out(c, buf):
            @plsc.parallel_loop(0, EMB, unroll=4)
            def tbody(d):
                dv = jnp.full((_L,), d, jnp.int32)
                for t in range(128 // _L):
                    v = buf[d, pl.ds(_L * t, _L)]
                    plsc.store_scatter(outv, [tok_w[t] + dv], v)
            pltpu.sync_copy(outv, out_hbm.at[pl.ds(c * (128 * _W), 128 * _W)])

        bufs = (stg_a, stg_b)
        sems = (sem_a, sem_b)

        stage_start(wid, stg_a, sem_a)

        def iters(k, carry):
            c = wid + _NW * k
            nxt = c + _NW
            for par in range(2):
                @pl.when((k % 2 == par) & (c < _TCOLS))
                def _():
                    @pl.when(nxt < _TCOLS)
                    def _():
                        stage_start(nxt, bufs[1 - par], sems[1 - par])
                    stage_wait(c, bufs[par], sems[par])
                    transpose_out(c, bufs[par])
            return carry

        lax.fori_loop(0, _K1_ITERS, iters, 0)

    return k1


def _make_k2():
    mesh = plsc.VectorSubcoreMesh(core_axis_name="c", subcore_axis_name="s")

    @functools.partial(
        pl.kernel,
        out_type=jax.ShapeDtypeStruct((MAX_LEN, 8, 32, 8, 128), jnp.float32),
        mesh=mesh,
        scratch_types=[
            pltpu.VMEM((MAX_LEN, 128), jnp.int32),
            pltpu.VMEM((128, _W), jnp.float32),
            pltpu.VMEM((128, _W), jnp.float32),
            pltpu.VMEM((MAX_LEN, EMB), jnp.float32),
            pltpu.VMEM((8, 8, 129), jnp.float32),
            pltpu.VMEM((8, 8, 129), jnp.float32),
            pltpu.SemaphoreType.DMA,
            pltpu.SemaphoreType.DMA,
            pltpu.SemaphoreType.DMA,
            pltpu.SemaphoreType.DMA,
        ],
        compiler_params=pltpu.CompilerParams(
            use_tc_tiling_on_sc=False, needs_layout_passes=False),
    )
    def k2(tab_hbm, seqsT_hbm, pos_hbm, out_hbm,
           idxv, rows_a, rows_b, posv, til_a, til_b,
           gsa, gsb, osa, osb):
        wid = lax.axis_index("s") * _NC + lax.axis_index("c")
        rsv = []
        for q in range(EMB // _L):
            d = lax.iota(jnp.int32, _L) + _L * q
            rsv.append((d >> 3, d & 7))

        pltpu.sync_copy(seqsT_hbm.at[:, pl.ds(wid * 128, 128)], idxv)
        pltpu.sync_copy(pos_hbm, posv)

        def fetch_start(l, rows, gsem):
            pltpu.async_copy(tab_hbm.at[idxv.at[l]], rows, gsem)

        def fetch_wait(l, rows, gsem):
            pltpu.make_async_copy(tab_hbm.at[idxv.at[l]], rows, gsem).wait()

        def out_start(l, tiles, sem):
            pltpu.async_copy(tiles.at[:, :, pl.ds(0, 128)],
                             out_hbm.at[l, :, wid], sem)

        def out_wait(l, tiles, sem):
            pltpu.make_async_copy(tiles.at[:, :, pl.ds(0, 128)],
                                  out_hbm.at[l, :, wid], sem).wait()

        def compute(l, rows, tiles):
            pos4 = [posv[l, pl.ds(_L * q, _L)] for q in range(EMB // _L)]

            @plsc.parallel_loop(0, 128, unroll=4)
            def cbody(lane):
                lv = jnp.full((_L,), lane, jnp.int32)
                for q in range(EMB // _L):
                    v = rows[lane, pl.ds(_L * q, _L)] + pos4[q]
                    plsc.store_scatter(tiles, [rsv[q][0], rsv[q][1], lv], v)

        fetch_start(0, rows_a, gsa)

        def body(i, carry):
            l0 = 2 * i
            l1 = l0 + 1

            @pl.when(i > 0)
            def _():
                out_wait(l1 - 2, til_b, osb)
            fetch_start(l1, rows_b, gsb)

            fetch_wait(l0, rows_a, gsa)
            compute(l0, rows_a, til_a)
            out_start(l0, til_a, osa)

            @pl.when(i < MAX_LEN // 2 - 1)
            def _():
                out_wait(l0, til_a, osa)
                fetch_start(l0 + 2, rows_a, gsa)

            fetch_wait(l1, rows_b, gsb)
            compute(l1, rows_b, til_b)
            out_start(l1, til_b, osb)
            return carry

        lax.fori_loop(0, MAX_LEN // 2, body, 0)
        out_wait(MAX_LEN - 2, til_a, osa)
        out_wait(MAX_LEN - 1, til_b, osb)

    return k2


_K1 = _make_k1()
_K2 = _make_k2()


def kernel(batch_seqs, token_table, pos_table):
    seqsT = batch_seqs.astype(jnp.int32).T
    lin = _K1(token_table.T)
    out5 = _K2(lin.reshape(_PAD_ITEMS, _W), seqsT, pos_table)
    return out5.transpose(2, 4, 0, 1, 3).reshape(BATCH, MAX_LEN, EMB)

# --- scband reference (transcript-rebuilt; emitter-appended) ---
"""Pipeline reference for scband-transformer-embedding-22230750724150 (READ-ONLY COPY).

The authoritative reference and input builder live on the scoring server;
editing this copy changes nothing except your own understanding.
"""

import jax, jax.numpy as jnp
import numpy as np

ITEM_NUM = 1000000
EMB_SIZE = 64
MAX_LEN = 200
BATCH = 4096

def setup_inputs(seed: int = 0) -> dict:
    key = jax.random.key(seed)
    k1, k2, k3 = jax.random.split(key, 3)
    batch_seqs = jax.random.randint(k1, (BATCH, MAX_LEN), 0, ITEM_NUM, dtype=jnp.int64 if jax.config.jax_enable_x64 else jnp.int32)
    token_table = jax.random.normal(k2, (ITEM_NUM, EMB_SIZE), dtype=jnp.float32)
    # padding_idx=0: torch zero-initializes this row
    token_table = token_table.at[0].set(0.0)
    pos_table = jax.random.normal(k3, (MAX_LEN, EMB_SIZE), dtype=jnp.float32)
    return {"batch_seqs": batch_seqs, "token_table": token_table, "pos_table": pos_table}

def reference(batch_seqs, token_table, pos_table):
    # token embedding lookup (gather)
    tok = jnp.take(token_table, batch_seqs, axis=0)  # [B, L, D]
    # position embedding: weight broadcast over batch (L == MAX_LEN)
    pos = pos_table[None, :, :]
    x = tok + pos
    # dropout is identity at inference
    return x

if __name__ == "__main__":
    import jax
    _d = setup_inputs()
    print(jax.jit(kernel)(*tuple(_d.values())))

</pallas_src>

<mosaic_0001>
#map = affine_map<(d0, d1) -> (0, 0)>
#map1 = affine_map<(d0, d1) -> (0)>
module attributes {stable_mosaic.version = 14 : i64} {
  func.func @k1(%arg0: i32, %arg1: i32, %arg2: memref<64x1000000xf32, #tpu.memory_space<hbm>>, %arg3: memref<80005120xf32, #tpu.memory_space<hbm>>, %arg4: memref<64x128xf32, #tpu.memory_space<vmem>>, %arg5: memref<64x128xf32, #tpu.memory_space<vmem>>, %arg6: memref<10240xf32, #tpu.memory_space<vmem>>, %arg7: memref<!tpu.dma_semaphore, #tpu.memory_space<semaphore_mem>>, %arg8: memref<!tpu.dma_semaphore, #tpu.memory_space<semaphore_mem>>) attributes {dimension_semantics = [#tpu.dimension_semantics<core_parallel>, #tpu.dimension_semantics<subcore_parallel>], iteration_bounds = array<i64: 2, 16>, scalar_prefetch = 0 : i64, scratch_operands = 5 : i64, tpu.core_type = #tpu.core_type<sc_vector_subcore>, window_params = [{transform_indices = #map}, {transform_indices = #map1}]} {
    %mul3A = arith.constant 2 : i32
    %mul3A_0 = arith.muli %arg1, %mul3A : i32
    %add3A = arith.addi %mul3A_0, %arg0 : i32
    %iota3A = tpu.iota {dimensions = array<i32: 0>} : vector<16xi32>
    %add3A_1 = arith.constant 0 : i32
    %add3A_2 = vector.broadcast %add3A_1 : i32 to vector<16xi32>
    %add3A_3 = arith.addi %iota3A, %add3A_2 : vector<16xi32>
    %mul3A_4 = arith.constant 80 : i32
    %mul3A_5 = vector.broadcast %mul3A_4 : i32 to vector<16xi32>
    %mul3A_6 = arith.muli %add3A_3, %mul3A_5 : vector<16xi32>
    %iota3A_7 = tpu.iota {dimensions = array<i32: 0>} : vector<16xi32>
    %add3A_8 = arith.constant 16 : i32
    %add3A_9 = vector.broadcast %add3A_8 : i32 to vector<16xi32>
    %add3A_10 = arith.addi %iota3A_7, %add3A_9 : vector<16xi32>
    %mul3A_11 = arith.constant 80 : i32
    %mul3A_12 = vector.broadcast %mul3A_11 : i32 to vector<16xi32>
    %mul3A_13 = arith.muli %add3A_10, %mul3A_12 : vector<16xi32>
    %iota3A_14 = tpu.iota {dimensions = array<i32: 0>} : vector<16xi32>
    %add3A_15 = arith.constant 32 : i32
    %add3A_16 = vector.broadcast %add3A_15 : i32 to vector<16xi32>
    %add3A_17 = arith.addi %iota3A_14, %add3A_16 : vector<16xi32>
    %mul3A_18 = arith.constant 80 : i32
    %mul3A_19 = vector.broadcast %mul3A_18 : i32 to vector<16xi32>
    %mul3A_20 = arith.muli %add3A_17, %mul3A_19 : vector<16xi32>
    %iota3A_21 = tpu.iota {dimensions = array<i32: 0>} : vector<16xi32>
    %add3A_22 = arith.constant 48 : i32
    %add3A_23 = vector.broadcast %add3A_22 : i32 to vector<16xi32>
    %add3A_24 = arith.addi %iota3A_21, %add3A_23 : vector<16xi32>
    %mul3A_25 = arith.constant 80 : i32
    %mul3A_26 = vector.broadcast %mul3A_25 : i32 to vector<16xi32>
    %mul3A_27 = arith.muli %add3A_24, %mul3A_26 : vector<16xi32>
    %iota3A_28 = tpu.iota {dimensions = array<i32: 0>} : vector<16xi32>
    %add3A_29 = arith.constant 64 : i32
    %add3A_30 = vector.broadcast %add3A_29 : i32 to vector<16xi32>
    %add3A_31 = arith.addi %iota3A_28, %add3A_30 : vector<16xi32>
    %mul3A_32 = arith.constant 80 : i32
    %mul3A_33 = vector.broadcast %mul3A_32 : i32 to vector<16xi32>
    %mul3A_34 = arith.muli %add3A_31, %mul3A_33 : vector<16xi32>
    %iota3A_35 = tpu.iota {dimensions = array<i32: 0>} : vector<16xi32>
    %add3A_36 = arith.constant 80 : i32
    %add3A_37 = vector.broadcast %add3A_36 : i32 to vector<16xi32>
    %add3A_38 = arith.addi %iota3A_35, %add3A_37 : vector<16xi32>
    %mul3A_39 = arith.constant 80 : i32
    %mul3A_40 = vector.broadcast %mul3A_39 : i32 to vector<16xi32>
    %mul3A_41 = arith.muli %add3A_38, %mul3A_40 : vector<16xi32>
    %iota3A_42 = tpu.iota {dimensions = array<i32: 0>} : vector<16xi32>
    %add3A_43 = arith.constant 96 : i32
    %add3A_44 = vector.broadcast %add3A_43 : i32 to vector<16xi32>
    %add3A_45 = arith.addi %iota3A_42, %add3A_44 : vector<16xi32>
    %mul3A_46 = arith.constant 80 : i32
    %mul3A_47 = vector.broadcast %mul3A_46 : i32 to vector<16xi32>
    %mul3A_48 = arith.muli %add3A_45, %mul3A_47 : vector<16xi32>
    %iota3A_49 = tpu.iota {dimensions = array<i32: 0>} : vector<16xi32>
    %add3A_50 = arith.constant 112 : i32
    %add3A_51 = vector.broadcast %add3A_50 : i32 to vector<16xi32>
    %add3A_52 = arith.addi %iota3A_49, %add3A_51 : vector<16xi32>
    %mul3A_53 = arith.constant 80 : i32
    %mul3A_54 = vector.broadcast %mul3A_53 : i32 to vector<16xi32>
    %mul3A_55 = arith.muli %add3A_52, %mul3A_54 : vector<16xi32>
    %mul3A_56 = arith.constant 128 : i32
    %mul3A_57 = arith.muli %add3A, %mul3A_56 : i32
    %dma_start3A = arith.constant 0 : i32
    %dma_start3A_58 = tpu.memref_slice %arg2[%dma_start3A, %mul3A_57] : memref<64x1000000xf32, #tpu.memory_space<hbm>> -> memref<64x128xf32, #tpu.memory_space<hbm>>
    %dma_start3A_59 = arith.constant 0 : i32
    %dma_start3A_60 = tpu.memref_slice %arg2[%dma_start3A_59, %mul3A_57] : memref<64x1000000xf32, #tpu.memory_space<hbm>> -> memref<64x128xf32, #tpu.memory_space<hbm>>
    tpu.enqueue_dma source(%dma_start3A_60 : memref<64x128xf32, #tpu.memory_space<hbm>>) target(%arg4 : memref<64x128xf32, #tpu.memory_space<vmem>>) target_semaphore(%arg7 : memref<!tpu.dma_semaphore, #tpu.memory_space<semaphore_mem>>)
    %scan3A = arith.constant 0 : i32
    %scan3A_61 = arith.constant 0 : i32
    %scan3A_62 = arith.constant 245 : i32
    %scan3A_63 = arith.addi %scan3A_61, %scan3A_62 : i32
    %scan3A_64 = arith.constant 1 : i32
    scf.for %scan3A_66 = %scan3A_61 to %scan3A_63 step %scan3A_64  : i32 {
      %mul3A_67 = arith.constant 32 : i32
      %mul3A_68 = arith.muli %mul3A_67, %scan3A_66 : i32
      %add3A_69 = arith.addi %add3A, %mul3A_68 : i32
      %add3A_70 = arith.constant 32 : i32
      %add3A_71 = arith.addi %add3A_69, %add3A_70 : i32
      %jit3A = arith.constant 2 : i32
      %eq3A = arith.constant 0 : i32
      %eq3A_72 = arith.cmpi eq, %jit3A, %eq3A : i32
      %jit3A_73 = arith.constant 1 : i32
      %select_n3A = arith.select %eq3A_72, %jit3A_73, %jit3A : i32
      %rem3A = arith.remsi %scan3A_66, %select_n3A : i32
      %ne3A = arith.constant 0 : i32
      %ne3A_74 = arith.cmpi ne, %rem3A, %ne3A : i32
      %lt3A = arith.constant 0 : i32
      %lt3A_75 = arith.cmpi slt, %rem3A, %lt3A : i32
      %lt3A_76 = arith.constant 0 : i32
      %lt3A_77 = arith.cmpi slt, %select_n3A, %lt3A_76 : i32
      %ne3A_78 = arith.xori %lt3A_75, %lt3A_77 : i1
      %and3A = arith.andi %ne3A_78, %ne3A_74 : i1
      %add3A_79 = arith.addi %rem3A, %select_n3A : i32
      %select_n3A_80 = arith.select %and3A, %add3A_79, %rem3A : i32
      %eq3A_81 = arith.constant 0 : i32
      %eq3A_82 = arith.cmpi eq, %select_n3A_80, %eq3A_81 : i32
      %lt3A_83 = arith.constant 7813 : i32
      %lt3A_84 = arith.cmpi slt, %add3A_69, %lt3A_83 : i32
      %and3A_85 = arith.andi %eq3A_82, %lt3A_84 : i1
      %convert_element_type3A = arith.extui %and3A_85 : i1 to i32
      %cond3A = arith.constant 0 : i32
      %cond3A_86 = arith.cmpi ne, %convert_element_type3A, %cond3A : i32
      scf.if %cond3A_86 {
        %lt3A_111 = arith.constant 7813 : i32
        %lt3A_112 = arith.cmpi slt, %add3A_71, %lt3A_111 : i32
        %convert_element_type3A_113 = arith.extui %lt3A_112 : i1 to i32
        %cond3A_114 = arith.constant 0 : i32
        %cond3A_115 = arith.cmpi ne, %convert_element_type3A_113, %cond3A_114 : i32
        scf.if %cond3A_115 {
          %mul3A_125 = arith.constant 128 : i32
          %mul3A_126 = arith.muli %add3A_71, %mul3A_125 : i32
          %dma_start3A_127 = arith.constant 0 : i32
          %dma_start3A_128 = tpu.memref_slice %arg2[%dma_start3A_127, %mul3A_126] : memref<64x1000000xf32, #tpu.memory_space<hbm>> -> memref<64x128xf32, #tpu.memory_space<hbm>>
          %dma_start3A_129 = arith.constant 0 : i32
          %dma_start3A_130 = tpu.memref_slice %arg2[%dma_start3A_129, %mul3A_126] : memref<64x1000000xf32, #tpu.memory_space<hbm>> -> memref<64x128xf32, #tpu.memory_space<hbm>>
          tpu.enqueue_dma source(%dma_start3A_130 : memref<64x128xf32, #tpu.memory_space<hbm>>) target(%arg5 : memref<64x128xf32, #tpu.memory_space<vmem>>) target_semaphore(%arg8 : memref<!tpu.dma_semaphore, #tpu.memory_space<semaphore_mem>>)
        } else {
        }
        %mul3A_116 = arith.constant 128 : i32
        %mul3A_117 = arith.muli %add3A_69, %mul3A_116 : i32
        %dma_wait3A = arith.constant 0 : i32
        %dma_wait3A_118 = tpu.memref_slice %arg2[%dma_wait3A, %mul3A_117] : memref<64x1000000xf32, #tpu.memory_space<hbm>> -> memref<64x128xf32, #tpu.memory_space<hbm>>
        %dma_wait3A_119 = arith.constant 0 : i32
        %dma_wait3A_120 = tpu.memref_slice %arg2[%dma_wait3A_119, %mul3A_117] : memref<64x1000000xf32, #tpu.memory_space<hbm>> -> memref<64x128xf32, #tpu.memory_space<hbm>>
        tpu.wait_dma2 semaphore(%arg7 : memref<!tpu.dma_semaphore, #tpu.memory_space<semaphore_mem>>) src(%dma_wait3A_120 : memref<64x128xf32, #tpu.memory_space<hbm>>) dst(%arg4 : memref<64x128xf32, #tpu.memory_space<vmem>>)
        %parallel_loop3A = arith.constant 0 : i32
        %parallel_loop3A_121 = arith.constant 64 : i32
        %parallel_loop3A_122 = arith.constant 1 : i32
        scf.for %parallel_loop3A_125 = %parallel_loop3A to %parallel_loop3A_121 step %parallel_loop3A_122  : i32 {
          %parallel_loop3A_126 = vector.broadcast %parallel_loop3A_125 : i32 to vector<16xi32>
          %parallel_loop3A_127 = arith.index_cast %parallel_loop3A_125 : i32 to index
          %parallel_loop3A_128 = arith.constant 0 : index
          %parallel_loop3A_129 = tpu.vector_load %arg4[%parallel_loop3A_127, %parallel_loop3A_128] {strides = array<i32>} : memref<64x128xf32, #tpu.memory_space<vmem>>, vector<16xf32>,
          %parallel_loop3A_130 = arith.addi %mul3A_6, %parallel_loop3A_126 : vector<16xi32>
          tpu.vector_store_idx %arg6[%parallel_loop3A_130], %parallel_loop3A_129 : memref<10240xf32, #tpu.memory_space<vmem>>[vector<16xi32>], vector<16xf32>,
          %parallel_loop3A_131 = arith.index_cast %parallel_loop3A_125 : i32 to index
          %parallel_loop3A_132 = arith.constant 16 : index
          %parallel_loop3A_133 = tpu.vector_load %arg4[%parallel_loop3A_131, %parallel_loop3A_132] {strides = array<i32>} : memref<64x128xf32, #tpu.memory_space<vmem>>, vector<16xf32>,
          %parallel_loop3A_134 = arith.addi %mul3A_13, %parallel_loop3A_126 : vector<16xi32>
          tpu.vector_store_idx %arg6[%parallel_loop3A_134], %parallel_loop3A_133 : memref<10240xf32, #tpu.memory_space<vmem>>[vector<16xi32>], vector<16xf32>,
          %parallel_loop3A_135 = arith.index_cast %parallel_loop3A_125 : i32 to index
          %parallel_loop3A_136 = arith.constant 32 : index
          %parallel_loop3A_137 = tpu.vector_load %arg4[%parallel_loop3A_135, %parallel_loop3A_136] {strides = array<i32>} : memref<64x128xf32, #tpu.memory_space<vmem>>, vector<16xf32>,
          %parallel_loop3A_138 = arith.addi %mul3A_20, %parallel_loop3A_126 : vector<16xi32>
          tpu.vector_store_idx %arg6[%parallel_loop3A_138], %parallel_loop3A_137 : memref<10240xf32, #tpu.memory_space<vmem>>[vector<16xi32>], vector<16xf32>,
          %parallel_loop3A_139 = arith.index_cast %parallel_loop3A_125 : i32 to index
          %parallel_loop3A_140 = arith.constant 48 : index
          %parallel_loop3A_141 = tpu.vector_load %arg4[%parallel_loop3A_139, %parallel_loop3A_140] {strides = array<i32>} : memref<64x128xf32, #tpu.memory_space<vmem>>, vector<16xf32>,
          %parallel_loop3A_142 = arith.addi %mul3A_27, %parallel_loop3A_126 : vector<16xi32>
          tpu.vector_store_idx %arg6[%parallel_loop3A_142], %parallel_loop3A_141 : memref<10240xf32, #tpu.memory_space<vmem>>[vector<16xi32>], vector<16xf32>,
          %parallel_loop3A_143 = arith.index_cast %parallel_loop3A_125 : i32 to index
          %parallel_loop3A_144 = arith.constant 64 : index
          %parallel_loop3A_145 = tpu.vector_load %arg4[%parallel_loop3A_143, %parallel_loop3A_144] {strides = array<i32>} : memref<64x128xf32, #tpu.memory_space<vmem>>, vector<16xf32>,
          %parallel_loop3A_146 = arith.addi %mul3A_34, %parallel_loop3A_126 : vector<16xi32>
          tpu.vector_store_idx %arg6[%parallel_loop3A_146], %parallel_loop3A_145 : memref<10240xf32, #tpu.memory_space<vmem>>[vector<16xi32>], vector<16xf32>,
          %parallel_loop3A_147 = arith.index_cast %parallel_loop3A_125 : i32 to index
          %parallel_loop3A_148 = arith.constant 80 : index
          %parallel_loop3A_149 = tpu.vector_load %arg4[%parallel_loop3A_147, %parallel_loop3A_148] {strides = array<i32>} : memref<64x128xf32, #tpu.memory_space<vmem>>, vector<16xf32>,
          %parallel_loop3A_150 = arith.addi %mul3A_41, %parallel_loop3A_126 : vector<16xi32>
          tpu.vector_store_idx %arg6[%parallel_loop3A_150], %parallel_loop3A_149 : memref<10240xf32, #tpu.memory_space<vmem>>[vector<16xi32>], vector<16xf32>,
          %parallel_loop3A_151 = arith.index_cast %parallel_loop3A_125 : i32 to index
          %parallel_loop3A_152 = arith.constant 96 : index
          %parallel_loop3A_153 = tpu.vector_load %arg4[%parallel_loop3A_151, %parallel_loop3A_152] {strides = array<i32>} : memref<64x128xf32, #tpu.memory_space<vmem>>, vector<16xf32>,
          %parallel_loop3A_154 = arith.addi %mul3A_48, %parallel_loop3A_126 : vector<16xi32>
          tpu.vector_store_idx %arg6[%parallel_loop3A_154], %parallel_loop3A_153 : memref<10240xf32, #tpu.memory_space<vmem>>[vector<16xi32>], vector<16xf32>,
          %parallel_loop3A_155 = arith.index_cast %parallel_loop3A_125 : i32 to index
          %parallel_loop3A_156 = arith.constant 112 : index
          %parallel_loop3A_157 = tpu.vector_load %arg4[%parallel_loop3A_155, %parallel_loop3A_156] {strides = array<i32>} : memref<64x128xf32, #tpu.memory_space<vmem>>, vector<16xf32>,
          %parallel_loop3A_158 = arith.addi %mul3A_55, %parallel_loop3A_126 : vector<16xi32>
          tpu.vector_store_idx %arg6[%parallel_loop3A_158], %parallel_loop3A_157 : memref<10240xf32, #tpu.memory_space<vmem>>[vector<16xi32>], vector<16xf32>,
        } {sc.loop_unroll_factor = 4 : i64, sc.parallel_access}
        %mul3A_123 = arith.constant 10240 : i32
        %mul3A_124 = arith.muli %add3A_69, %mul3A_123 : i32
        "tpu.region"() ({
          %run_scoped3A = tpu.sem_alloc : memref<!tpu.dma_semaphore, #tpu.memory_space<semaphore_mem>>
          %dma_start3A_125 = tpu.memref_slice %arg3[%mul3A_124] : memref<80005120xf32, #tpu.memory_space<hbm>> -> memref<10240xf32, #tpu.memory_space<hbm>>
          %dma_start3A_126 = tpu.memref_slice %arg3[%mul3A_124] : memref<80005120xf32, #tpu.memory_space<hbm>> -> memref<10240xf32, #tpu.memory_space<hbm>>
          tpu.enqueue_dma source(%arg6 : memref<10240xf32, #tpu.memory_space<vmem>>) target(%dma_start3A_126 : memref<10240xf32, #tpu.memory_space<hbm>>) target_semaphore(%run_scoped3A : memref<!tpu.dma_semaphore, #tpu.memory_space<semaphore_mem>>)
          %dma_wait3A_127 = tpu.memref_slice %arg3[%mul3A_124] : memref<80005120xf32, #tpu.memory_space<hbm>> -> memref<10240xf32, #tpu.memory_space<hbm>>
          %dma_wait3A_128 = tpu.memref_slice %arg3[%mul3A_124] : memref<80005120xf32, #tpu.memory_space<hbm>> -> memref<10240xf32, #tpu.memory_space<hbm>>
          tpu.wait_dma2 semaphore(%run_scoped3A : memref<!tpu.dma_semaphore, #tpu.memory_space<semaphore_mem>>) src(%arg6 : memref<10240xf32, #tpu.memory_space<vmem>>) dst(%dma_wait3A_128 : memref<10240xf32, #tpu.memory_space<hbm>>)
          tpu.yield
        }) : () -> ()
      } else {
      }
      %jit3A_87 = arith.constant 2 : i32
      %eq3A_88 = arith.constant 0 : i32
      %eq3A_89 = arith.cmpi eq, %jit3A_87, %eq3A_88 : i32
      %jit3A_90 = arith.constant 1 : i32
      %select_n3A_91 = arith.select %eq3A_89, %jit3A_90, %jit3A_87 : i32
      %rem3A_92 = arith.remsi %scan3A_66, %select_n3A_91 : i32
      %ne3A_93 = arith.constant 0 : i32
      %ne3A_94 = arith.cmpi ne, %rem3A_92, %ne3A_93 : i32
      %lt3A_95 = arith.constant 0 : i32
      %lt3A_96 = arith.cmpi slt, %rem3A_92, %lt3A_95 : i32
      %lt3A_97 = arith.constant 0 : i32
      %lt3A_98 = arith.cmpi slt, %select_n3A_91, %lt3A_97 : i32
      %ne3A_99 = arith.xori %lt3A_96, %lt3A_98 : i1
      %and3A_100 = arith.andi %ne3A_99, %ne3A_94 : i1
      %add3A_101 = arith.addi %rem3A_92, %select_n3A_91 : i32
      %select_n3A_102 = arith.select %and3A_100, %add3A_101, %rem3A_92 : i32
      %eq3A_103 = arith.constant 1 : i32
      %eq3A_104 = arith.cmpi eq, %select_n3A_102, %eq3A_103 : i32
      %lt3A_105 = arith.constant 7813 : i32
      %lt3A_106 = arith.cmpi slt, %add3A_69, %lt3A_105 : i32
      %and3A_107 = arith.andi %eq3A_104, %lt3A_106 : i1
      %convert_element_type3A_108 = arith.extui %and3A_107 : i1 to i32
      %cond3A_109 = arith.constant 0 : i32
      %cond3A_110 = arith.cmpi ne, %convert_element_type3A_108, %cond3A_109 : i32
      scf.if %cond3A_110 {
        %lt3A_111 = arith.constant 7813 : i32
        %lt3A_112 = arith.cmpi slt, %add3A_71, %lt3A_111 : i32
        %convert_element_type3A_113 = arith.extui %lt3A_112 : i1 to i32
        %cond3A_114 = arith.constant 0 : i32
        %cond3A_115 = arith.cmpi ne, %convert_element_type3A_113, %cond3A_114 : i32
        scf.if %cond3A_115 {
          %mul3A_125 = arith.constant 128 : i32
          %mul3A_126 = arith.muli %add3A_71, %mul3A_125 : i32
          %dma_start3A_127 = arith.constant 0 : i32
          %dma_start3A_128 = tpu.memref_slice %arg2[%dma_start3A_127, %mul3A_126] : memref<64x1000000xf32, #tpu.memory_space<hbm>> -> memref<64x128xf32, #tpu.memory_space<hbm>>
          %dma_start3A_129 = arith.constant 0 : i32
          %dma_start3A_130 = tpu.memref_slice %arg2[%dma_start3A_129, %mul3A_126] : memref<64x1000000xf32, #tpu.memory_space<hbm>> -> memref<64x128xf32, #tpu.memory_space<hbm>>
          tpu.enqueue_dma source(%dma_start3A_130 : memref<64x128xf32, #tpu.memory_space<hbm>>) target(%arg4 : memref<64x128xf32, #tpu.memory_space<vmem>>) target_semaphore(%arg7 : memref<!tpu.dma_semaphore, #tpu.memory_space<semaphore_mem>>)
        } else {
        }
        %mul3A_116 = arith.constant 128 : i32
        %mul3A_117 = arith.muli %add3A_69, %mul3A_116 : i32
        %dma_wait3A = arith.constant 0 : i32
        %dma_wait3A_118 = tpu.memref_slice %arg2[%dma_wait3A, %mul3A_117] : memref<64x1000000xf32, #tpu.memory_space<hbm>> -> memref<64x128xf32, #tpu.memory_space<hbm>>
        %dma_wait3A_119 = arith.constant 0 : i32
        %dma_wait3A_120 = tpu.memref_slice %arg2[%dma_wait3A_119, %mul3A_117] : memref<64x1000000xf32, #tpu.memory_space<hbm>> -> memref<64x128xf32, #tpu.memory_space<hbm>>
        tpu.wait_dma2 semaphore(%arg8 : memref<!tpu.dma_semaphore, #tpu.memory_space<semaphore_mem>>) src(%dma_wait3A_120 : memref<64x128xf32, #tpu.memory_space<hbm>>) dst(%arg5 : memref<64x128xf32, #tpu.memory_space<vmem>>)
        %parallel_loop3A = arith.constant 0 : i32
        %parallel_loop3A_121 = arith.constant 64 : i32
        %parallel_loop3A_122 = arith.constant 1 : i32
        scf.for %parallel_loop3A_125 = %parallel_loop3A to %parallel_loop3A_121 step %parallel_loop3A_122  : i32 {
          %parallel_loop3A_126 = vector.broadcast %parallel_loop3A_125 : i32 to vector<16xi32>
          %parallel_loop3A_127 = arith.index_cast %parallel_loop3A_125 : i32 to index
          %parallel_loop3A_128 = arith.constant 0 : index
          %parallel_loop3A_129 = tpu.vector_load %arg5[%parallel_loop3A_127, %parallel_loop3A_128] {strides = array<i32>} : memref<64x128xf32, #tpu.memory_space<vmem>>, vector<16xf32>,
          %parallel_loop3A_130 = arith.addi %mul3A_6, %parallel_loop3A_126 : vector<16xi32>
          tpu.vector_store_idx %arg6[%parallel_loop3A_130], %parallel_loop3A_129 : memref<10240xf32, #tpu.memory_space<vmem>>[vector<16xi32>], vector<16xf32>,
          %parallel_loop3A_131 = arith.index_cast %parallel_loop3A_125 : i32 to index
          %parallel_loop3A_132 = arith.constant 16 : index
          %parallel_loop3A_133 = tpu.vector_load %arg5[%parallel_loop3A_131, %parallel_loop3A_132] {strides = array<i32>} : memref<64x128xf32, #tpu.memory_space<vmem>>, vector<16xf32>,
          %parallel_loop3A_134 = arith.addi %mul3A_13, %parallel_loop3A_126 : vector<16xi32>
          tpu.vector_store_idx %arg6[%parallel_loop3A_134], %parallel_loop3A_133 : memref<10240xf32, #tpu.memory_space<vmem>>[vector<16xi32>], vector<16xf32>,
          %parallel_loop3A_135 = arith.index_cast %parallel_loop3A_125 : i32 to index
          %parallel_loop3A_136 = arith.constant 32 : index
          %parallel_loop3A_137 = tpu.vector_load %arg5[%parallel_loop3A_135, %parallel_loop3A_136] {strides = array<i32>} : memref<64x128xf32, #tpu.memory_space<vmem>>, vector<16xf32>,
          %parallel_loop3A_138 = arith.addi %mul3A_20, %parallel_loop3A_126 : vector<16xi32>
          tpu.vector_store_idx %arg6[%parallel_loop3A_138], %parallel_loop3A_137 : memref<10240xf32, #tpu.memory_space<vmem>>[vector<16xi32>], vector<16xf32>,
          %parallel_loop3A_139 = arith.index_cast %parallel_loop3A_125 : i32 to index
          %parallel_loop3A_140 = arith.constant 48 : index
          %parallel_loop3A_141 = tpu.vector_load %arg5[%parallel_loop3A_139, %parallel_loop3A_140] {strides = array<i32>} : memref<64x128xf32, #tpu.memory_space<vmem>>, vector<16xf32>,
          %parallel_loop3A_142 = arith.addi %mul3A_27, %parallel_loop3A_126 : vector<16xi32>
          tpu.vector_store_idx %arg6[%parallel_loop3A_142], %parallel_loop3A_141 : memref<10240xf32, #tpu.memory_space<vmem>>[vector<16xi32>], vector<16xf32>,
          %parallel_loop3A_143 = arith.index_cast %parallel_loop3A_125 : i32 to index
          %parallel_loop3A_144 = arith.constant 64 : index
          %parallel_loop3A_145 = tpu.vector_load %arg5[%parallel_loop3A_143, %parallel_loop3A_144] {strides = array<i32>} : memref<64x128xf32, #tpu.memory_space<vmem>>, vector<16xf32>,
          %parallel_loop3A_146 = arith.addi %mul3A_34, %parallel_loop3A_126 : vector<16xi32>
          tpu.vector_store_idx %arg6[%parallel_loop3A_146], %parallel_loop3A_145 : memref<10240xf32, #tpu.memory_space<vmem>>[vector<16xi32>], vector<16xf32>,
          %parallel_loop3A_147 = arith.index_cast %parallel_loop3A_125 : i32 to index
          %parallel_loop3A_148 = arith.constant 80 : index
          %parallel_loop3A_149 = tpu.vector_load %arg5[%parallel_loop3A_147, %parallel_loop3A_148] {strides = array<i32>} : memref<64x128xf32, #tpu.memory_space<vmem>>, vector<16xf32>,
          %parallel_loop3A_150 = arith.addi %mul3A_41, %parallel_loop3A_126 : vector<16xi32>
          tpu.vector_store_idx %arg6[%parallel_loop3A_150], %parallel_loop3A_149 : memref<10240xf32, #tpu.memory_space<vmem>>[vector<16xi32>], vector<16xf32>,
          %parallel_loop3A_151 = arith.index_cast %parallel_loop3A_125 : i32 to index
          %parallel_loop3A_152 = arith.constant 96 : index
          %parallel_loop3A_153 = tpu.vector_load %arg5[%parallel_loop3A_151, %parallel_loop3A_152] {strides = array<i32>} : memref<64x128xf32, #tpu.memory_space<vmem>>, vector<16xf32>,
          %parallel_loop3A_154 = arith.addi %mul3A_48, %parallel_loop3A_126 : vector<16xi32>
          tpu.vector_store_idx %arg6[%parallel_loop3A_154], %parallel_loop3A_153 : memref<10240xf32, #tpu.memory_space<vmem>>[vector<16xi32>], vector<16xf32>,
          %parallel_loop3A_155 = arith.index_cast %parallel_loop3A_125 : i32 to index
          %parallel_loop3A_156 = arith.constant 112 : index
          %parallel_loop3A_157 = tpu.vector_load %arg5[%parallel_loop3A_155, %parallel_loop3A_156] {strides = array<i32>} : memref<64x128xf32, #tpu.memory_space<vmem>>, vector<16xf32>,
          %parallel_loop3A_158 = arith.addi %mul3A_55, %parallel_loop3A_126 : vector<16xi32>
          tpu.vector_store_idx %arg6[%parallel_loop3A_158], %parallel_loop3A_157 : memref<10240xf32, #tpu.memory_space<vmem>>[vector<16xi32>], vector<16xf32>,
        } {sc.loop_unroll_factor = 4 : i64, sc.parallel_access}
        %mul3A_123 = arith.constant 10240 : i32
        %mul3A_124 = arith.muli %add3A_69, %mul3A_123 : i32
        "tpu.region"() ({
          %run_scoped3A = tpu.sem_alloc : memref<!tpu.dma_semaphore, #tpu.memory_space<semaphore_mem>>
          %dma_start3A_125 = tpu.memref_slice %arg3[%mul3A_124] : memref<80005120xf32, #tpu.memory_space<hbm>> -> memref<10240xf32, #tpu.memory_space<hbm>>
          %dma_start3A_126 = tpu.memref_slice %arg3[%mul3A_124] : memref<80005120xf32, #tpu.memory_space<hbm>> -> memref<10240xf32, #tpu.memory_space<hbm>>
          tpu.enqueue_dma source(%arg6 : memref<10240xf32, #tpu.memory_space<vmem>>) target(%dma_start3A_126 : memref<10240xf32, #tpu.memory_space<hbm>>) target_semaphore(%run_scoped3A : memref<!tpu.dma_semaphore, #tpu.memory_space<semaphore_mem>>)
          %dma_wait3A_127 = tpu.memref_slice %arg3[%mul3A_124] : memref<80005120xf32, #tpu.memory_space<hbm>> -> memref<10240xf32, #tpu.memory_space<hbm>>
          %dma_wait3A_128 = tpu.memref_slice %arg3[%mul3A_124] : memref<80005120xf32, #tpu.memory_space<hbm>> -> memref<10240xf32, #tpu.memory_space<hbm>>
          tpu.wait_dma2 semaphore(%run_scoped3A : memref<!tpu.dma_semaphore, #tpu.memory_space<semaphore_mem>>) src(%arg6 : memref<10240xf32, #tpu.memory_space<vmem>>) dst(%dma_wait3A_128 : memref<10240xf32, #tpu.memory_space<hbm>>)
          tpu.yield
        }) : () -> ()
      } else {
      }
    }
    %scan3A_65 = arith.constant 245 : i32
    return
  }
}

#map = affine_map<(d0, d1) -> (0, 0)>
#map1 = affine_map<(d0, d1) -> (0, 0, 0, 0, 0)>
module attributes {stable_mosaic.version = 14 : i64} {
  func.func @k2(%arg0: i32, %arg1: i32, %arg2: memref<1000064x80xf32, #tpu.memory_space<hbm>>, %arg3: memref<200x4096xi32, #tpu.memory_space<hbm>>, %arg4: memref<200x64xf32, #tpu.memory_space<hbm>>, %arg5: memref<200x8x32x8x128xf32, #tpu.memory_space<hbm>>, %arg6: memref<200x128xi32, #tpu.memory_space<vmem>>, %arg7: memref<128x80xf32, #tpu.memory_space<vmem>>, %arg8: memref<128x80xf32, #tpu.memory_space<vmem>>, %arg9: memref<200x64xf32, #tpu.memory_space<vmem>>, %arg10: memref<8x8x129xf32, #tpu.memory_space<vmem>>, %arg11: memref<8x8x129xf32, #tpu.memory_space<vmem>>, %arg12: memref<!tpu.dma_semaphore, #tpu.memory_space<semaphore_mem>>, %arg13: memref<!tpu.dma_semaphore, #tpu.memory_space<semaphore_mem>>, %arg14: memref<!tpu.dma_semaphore, #tpu.memory_space<semaphore_mem>>, %arg15: memref<!tpu.dma_semaphore, #tpu.memory_space<semaphore_mem>>) attributes {dimension_semantics = [#tpu.dimension_semantics<core_parallel>, #tpu.dimension_semantics<subcore_parallel>], iteration_bounds = array<i64: 2, 16>, scalar_prefetch = 0 : i64, scratch_operands = 10 : i64, tpu.core_type = #tpu.core_type<sc_vector_subcore>, window_params = [{transform_indices = #map}, {transform_indices = #map}, {transform_indices = #map}, {transform_indices = #map1}]} {
    %mul3A = arith.constant 2 : i32
    %mul3A_0 = arith.muli %arg1, %mul3A : i32
    %add3A = arith.addi %mul3A_0, %arg0 : i32
    %iota3A = tpu.iota {dimensions = array<i32: 0>} : vector<16xi32>
    %add3A_1 = arith.constant 0 : i32
    %add3A_2 = vector.broadcast %add3A_1 : i32 to vector<16xi32>
    %add3A_3 = arith.addi %iota3A, %add3A_2 : vector<16xi32>
    %shift_right_arithmetic3A = arith.constant 3 : i32
    %shift_right_arithmetic3A_4 = vector.broadcast %shift_right_arithmetic3A : i32 to vector<16xi32>
    %shift_right_arithmetic3A_5 = arith.shrsi %add3A_3, %shift_right_arithmetic3A_4 : vector<16xi32>
    %and3A = arith.constant 7 : i32
    %and3A_6 = vector.broadcast %and3A : i32 to vector<16xi32>
    %and3A_7 = arith.andi %add3A_3, %and3A_6 : vector<16xi32>
    %iota3A_8 = tpu.iota {dimensions = array<i32: 0>} : vector<16xi32>
    %add3A_9 = arith.constant 16 : i32
    %add3A_10 = vector.broadcast %add3A_9 : i32 to vector<16xi32>
    %add3A_11 = arith.addi %iota3A_8, %add3A_10 : vector<16xi32>
    %shift_right_arithmetic3A_12 = arith.constant 3 : i32
    %shift_right_arithmetic3A_13 = vector.broadcast %shift_right_arithmetic3A_12 : i32 to vector<16xi32>
    %shift_right_arithmetic3A_14 = arith.shrsi %add3A_11, %shift_right_arithmetic3A_13 : vector<16xi32>
    %and3A_15 = arith.constant 7 : i32
    %and3A_16 = vector.broadcast %and3A_15 : i32 to vector<16xi32>
    %and3A_17 = arith.andi %add3A_11, %and3A_16 : vector<16xi32>
    %iota3A_18 = tpu.iota {dimensions = array<i32: 0>} : vector<16xi32>
    %add3A_19 = arith.constant 32 : i32
    %add3A_20 = vector.broadcast %add3A_19 : i32 to vector<16xi32>
    %add3A_21 = arith.addi %iota3A_18, %add3A_20 : vector<16xi32>
    %shift_right_arithmetic3A_22 = arith.constant 3 : i32
    %shift_right_arithmetic3A_23 = vector.broadcast %shift_right_arithmetic3A_22 : i32 to vector<16xi32>
    %shift_right_arithmetic3A_24 = arith.shrsi %add3A_21, %shift_right_arithmetic3A_23 : vector<16xi32>
    %and3A_25 = arith.constant 7 : i32
    %and3A_26 = vector.broadcast %and3A_25 : i32 to vector<16xi32>
    %and3A_27 = arith.andi %add3A_21, %and3A_26 : vector<16xi32>
    %iota3A_28 = tpu.iota {dimensions = array<i32: 0>} : vector<16xi32>
    %add3A_29 = arith.constant 48 : i32
    %add3A_30 = vector.broadcast %add3A_29 : i32 to vector<16xi32>
    %add3A_31 = arith.addi %iota3A_28, %add3A_30 : vector<16xi32>
    %shift_right_arithmetic3A_32 = arith.constant 3 : i32
    %shift_right_arithmetic3A_33 = vector.broadcast %shift_right_arithmetic3A_32 : i32 to vector<16xi32>
    %shift_right_arithmetic3A_34 = arith.shrsi %add3A_31, %shift_right_arithmetic3A_33 : vector<16xi32>
    %and3A_35 = arith.constant 7 : i32
    %and3A_36 = vector.broadcast %and3A_35 : i32 to vector<16xi32>
    %and3A_37 = arith.andi %add3A_31, %and3A_36 : vector<16xi32>
    %mul3A_38 = arith.constant 128 : i32
    %mul3A_39 = arith.muli %add3A, %mul3A_38 : i32
    "tpu.region"() ({
      %run_scoped3A = tpu.sem_alloc : memref<!tpu.dma_semaphore, #tpu.memory_space<semaphore_mem>>
      %dma_start3A_88 = arith.constant 0 : i32
      %dma_start3A_89 = tpu.memref_slice %arg3[%dma_start3A_88, %mul3A_39] : memref<200x4096xi32, #tpu.memory_space<hbm>> -> memref<200x128xi32, #tpu.memory_space<hbm>>
      %dma_start3A_90 = arith.constant 0 : i32
      %dma_start3A_91 = tpu.memref_slice %arg3[%dma_start3A_90, %mul3A_39] : memref<200x4096xi32, #tpu.memory_space<hbm>> -> memref<200x128xi32, #tpu.memory_space<hbm>>
      tpu.enqueue_dma source(%dma_start3A_91 : memref<200x128xi32, #tpu.memory_space<hbm>>) target(%arg6 : memref<200x128xi32, #tpu.memory_space<vmem>>) target_semaphore(%run_scoped3A : memref<!tpu.dma_semaphore, #tpu.memory_space<semaphore_mem>>)
      %dma_wait3A_92 = arith.constant 0 : i32
      %dma_wait3A_93 = tpu.memref_slice %arg3[%dma_wait3A_92, %mul3A_39] : memref<200x4096xi32, #tpu.memory_space<hbm>> -> memref<200x128xi32, #tpu.memory_space<hbm>>
      %dma_wait3A_94 = arith.constant 0 : i32
      %dma_wait3A_95 = tpu.memref_slice %arg3[%dma_wait3A_94, %mul3A_39] : memref<200x4096xi32, #tpu.memory_space<hbm>> -> memref<200x128xi32, #tpu.memory_space<hbm>>
      tpu.wait_dma2 semaphore(%run_scoped3A : memref<!tpu.dma_semaphore, #tpu.memory_space<semaphore_mem>>) src(%dma_wait3A_95 : memref<200x128xi32, #tpu.memory_space<hbm>>) dst(%arg6 : memref<200x128xi32, #tpu.memory_space<vmem>>)
      tpu.yield
    }) : () -> ()
    "tpu.region"() ({
      %run_scoped3A = tpu.sem_alloc : memref<!tpu.dma_semaphore, #tpu.memory_space<semaphore_mem>>
      tpu.enqueue_dma source(%arg4 : memref<200x64xf32, #tpu.memory_space<hbm>>) target(%arg9 : memref<200x64xf32, #tpu.memory_space<vmem>>) target_semaphore(%run_scoped3A : memref<!tpu.dma_semaphore, #tpu.memory_space<semaphore_mem>>)
      tpu.wait_dma2 semaphore(%run_scoped3A : memref<!tpu.dma_semaphore, #tpu.memory_space<semaphore_mem>>) src(%arg4 : memref<200x64xf32, #tpu.memory_space<hbm>>) dst(%arg9 : memref<200x64xf32, #tpu.memory_space<vmem>>)
      tpu.yield
    }) : () -> ()
    %dma_start3A = arith.constant 0 : i32
    %dma_start3A_40 = arith.constant 0 : i32
    %dma_start3A_41 = tpu.memref_slice %arg6[%dma_start3A, %dma_start3A_40] : memref<200x128xi32, #tpu.memory_space<vmem>> -> memref<1x128xi32, #tpu.memory_space<vmem>>
    %dma_start3A_42 = tpu.memref_squeeze %dma_start3A_41 : memref<1x128xi32, #tpu.memory_space<vmem>> -> memref<128xi32, #tpu.memory_space<vmem>>
    %dma_start3A_43 = arith.constant 0 : i32
    %dma_start3A_44 = arith.constant 0 : i32
    %dma_start3A_45 = tpu.memref_slice %arg2[%dma_start3A_43, %dma_start3A_44] : memref<1000064x80xf32, #tpu.memory_space<hbm>> -> memref<1000064x80xf32, #tpu.memory_space<hbm>>
    tpu.enqueue_indirect_dma source(%dma_start3A_45 : memref<1000064x80xf32, #tpu.memory_space<hbm>>) target(%arg7 : memref<128x80xf32, #tpu.memory_space<vmem>>) offsets(%dma_start3A_42 : memref<128xi32, #tpu.memory_space<vmem>>) semaphore(%arg12 : memref<!tpu.dma_semaphore, #tpu.memory_space<semaphore_mem>>)
    %scan3A = arith.constant 0 : i32
    %scan3A_46 = arith.constant 0 : i32
    %scan3A_47 = arith.constant 100 : i32
    %scan3A_48 = arith.addi %scan3A_46, %scan3A_47 : i32
    %scan3A_49 = arith.constant 1 : i32
    scf.for %scan3A_88 = %scan3A_46 to %scan3A_48 step %scan3A_49  : i32 {
      %mul3A_89 = arith.constant 2 : i32
      %mul3A_90 = arith.muli %mul3A_89, %scan3A_88 : i32
      %add3A_91 = arith.constant 1 : i32
      %add3A_92 = arith.addi %mul3A_90, %add3A_91 : i32
      %gt3A = arith.constant 0 : i32
      %gt3A_93 = arith.cmpi sgt, %scan3A_88, %gt3A : i32
      %convert_element_type3A = arith.extui %gt3A_93 : i1 to i32
      %cond3A = arith.constant 0 : i32
      %cond3A_94 = arith.cmpi ne, %convert_element_type3A, %cond3A : i32
      scf.if %cond3A_94 {
        %sub3A = arith.constant 2 : i32
        %sub3A_181 = arith.subi %add3A_92, %sub3A : i32
        %dma_wait3A_182 = arith.constant 0 : i32
        %dma_wait3A_183 = arith.constant 0 : i32
        %dma_wait3A_184 = arith.constant 0 : i32
        %dma_wait3A_185 = tpu.memref_slice %arg11[%dma_wait3A_182, %dma_wait3A_183, %dma_wait3A_184] : memref<8x8x129xf32, #tpu.memory_space<vmem>> -> memref<8x8x128xf32, #tpu.memory_space<vmem>>
        %dma_wait3A_186 = arith.constant 0 : i32
        %dma_wait3A_187 = arith.constant 0 : i32
        %dma_wait3A_188 = arith.constant 0 : i32
        %dma_wait3A_189 = tpu.memref_slice %arg5[%sub3A_181, %dma_wait3A_186, %add3A, %dma_wait3A_187, %dma_wait3A_188] : memref<200x8x32x8x128xf32, #tpu.memory_space<hbm>> -> memref<1x8x1x8x128xf32, #tpu.memory_space<hbm>>
        %dma_wait3A_190 = tpu.memref_squeeze %dma_wait3A_189 : memref<1x8x1x8x128xf32, #tpu.memory_space<hbm>> -> memref<8x8x128xf32, #tpu.memory_space<hbm>>
        %dma_wait3A_191 = arith.constant 0 : i32
        %dma_wait3A_192 = arith.constant 0 : i32
        %dma_wait3A_193 = arith.constant 0 : i32
        %dma_wait3A_194 = tpu.memref_slice %arg5[%sub3A_181, %dma_wait3A_191, %add3A, %dma_wait3A_192, %dma_wait3A_193] : memref<200x8x32x8x128xf32, #tpu.memory_space<hbm>> -> memref<1x8x1x8x128xf32, #tpu.memory_space<hbm>>
        %dma_wait3A_195 = tpu.memref_squeeze %dma_wait3A_194 : memref<1x8x1x8x128xf32, #tpu.memory_space<hbm>> -> memref<8x8x128xf32, #tpu.memory_space<hbm>>
        %dma_wait3A_196 = arith.constant 0 : i32
        %dma_wait3A_197 = arith.constant 0 : i32
        %dma_wait3A_198 = arith.constant 0 : i32
        %dma_wait3A_199 = tpu.memref_slice %arg11[%dma_wait3A_196, %dma_wait3A_197, %dma_wait3A_198] : memref<8x8x129xf32, #tpu.memory_space<vmem>> -> memref<8x8x128xf32, #tpu.memory_space<vmem>>
        tpu.wait_dma2 semaphore(%arg15 : memref<!tpu.dma_semaphore, #tpu.memory_space<semaphore_mem>>) src(%dma_wait3A_199 : memref<8x8x128xf32, #tpu.memory_space<vmem>>) dst(%dma_wait3A_195 : memref<8x8x128xf32, #tpu.memory_space<hbm>>)
      } else {
      }
      %dma_start3A_95 = arith.constant 0 : i32
      %dma_start3A_96 = tpu.memref_slice %arg6[%add3A_92, %dma_start3A_95] : memref<200x128xi32, #tpu.memory_space<vmem>> -> memref<1x128xi32, #tpu.memory_space<vmem>>
      %dma_start3A_97 = tpu.memref_squeeze %dma_start3A_96 : memref<1x128xi32, #tpu.memory_space<vmem>> -> memref<128xi32, #tpu.memory_space<vmem>>
      %dma_start3A_98 = arith.constant 0 : i32
      %dma_start3A_99 = arith.constant 0 : i32
      %dma_start3A_100 = tpu.memref_slice %arg2[%dma_start3A_98, %dma_start3A_99] : memref<1000064x80xf32, #tpu.memory_space<hbm>> -> memref<1000064x80xf32, #tpu.memory_space<hbm>>
      tpu.enqueue_indirect_dma source(%dma_start3A_100 : memref<1000064x80xf32, #tpu.memory_space<hbm>>) target(%arg8 : memref<128x80xf32, #tpu.memory_space<vmem>>) offsets(%dma_start3A_97 : memref<128xi32, #tpu.memory_space<vmem>>) semaphore(%arg13 : memref<!tpu.dma_semaphore, #tpu.memory_space<semaphore_mem>>)
      %dma_wait3A_101 = arith.constant 0 : i32
      %dma_wait3A_102 = tpu.memref_slice %arg6[%mul3A_90, %dma_wait3A_101] : memref<200x128xi32, #tpu.memory_space<vmem>> -> memref<1x128xi32, #tpu.memory_space<vmem>>
      %dma_wait3A_103 = tpu.memref_squeeze %dma_wait3A_102 : memref<1x128xi32, #tpu.memory_space<vmem>> -> memref<128xi32, #tpu.memory_space<vmem>>
      %dma_wait3A_104 = arith.constant 0 : i32
      %dma_wait3A_105 = arith.constant 0 : i32
      %dma_wait3A_106 = tpu.memref_slice %arg2[%dma_wait3A_104, %dma_wait3A_105] : memref<1000064x80xf32, #tpu.memory_space<hbm>> -> memref<1000064x80xf32, #tpu.memory_space<hbm>>
      tpu.wait_indirect_dma semaphore(%arg12 : memref<!tpu.dma_semaphore, #tpu.memory_space<semaphore_mem>>) src(%dma_wait3A_106 : memref<1000064x80xf32, #tpu.memory_space<hbm>>) dst(%arg7 : memref<128x80xf32, #tpu.memory_space<vmem>>)
      %get3A = arith.index_cast %mul3A_90 : i32 to index
      %get3A_107 = arith.constant 0 : index
      %get3A_108 = tpu.vector_load %arg9[%get3A, %get3A_107] {strides = array<i32>} : memref<200x64xf32, #tpu.memory_space<vmem>>, vector<16xf32>,
      %get3A_109 = arith.index_cast %mul3A_90 : i32 to index
      %get3A_110 = arith.constant 16 : index
      %get3A_111 = tpu.vector_load %arg9[%get3A_109, %get3A_110] {strides = array<i32>} : memref<200x64xf32, #tpu.memory_space<vmem>>, vector<16xf32>,
      %get3A_112 = arith.index_cast %mul3A_90 : i32 to index
      %get3A_113 = arith.constant 32 : index
      %get3A_114 = tpu.vector_load %arg9[%get3A_112, %get3A_113] {strides = array<i32>} : memref<200x64xf32, #tpu.memory_space<vmem>>, vector<16xf32>,
      %get3A_115 = arith.index_cast %mul3A_90 : i32 to index
      %get3A_116 = arith.constant 48 : index
      %get3A_117 = tpu.vector_load %arg9[%get3A_115, %get3A_116] {strides = array<i32>} : memref<200x64xf32, #tpu.memory_space<vmem>>, vector<16xf32>,
      %parallel_loop3A = arith.constant 0 : i32
      %parallel_loop3A_118 = arith.constant 128 : i32
      %parallel_loop3A_119 = arith.constant 1 : i32
      scf.for %parallel_loop3A_181 = %parallel_loop3A to %parallel_loop3A_118 step %parallel_loop3A_119  : i32 {
        %parallel_loop3A_182 = vector.broadcast %parallel_loop3A_181 : i32 to vector<16xi32>
        %parallel_loop3A_183 = arith.index_cast %parallel_loop3A_181 : i32 to index
        %parallel_loop3A_184 = arith.constant 0 : index
        %parallel_loop3A_185 = tpu.vector_load %arg7[%parallel_loop3A_183, %parallel_loop3A_184] {strides = array<i32>} : memref<128x80xf32, #tpu.memory_space<vmem>>, vector<16xf32>,
        %parallel_loop3A_186 = arith.addf %parallel_loop3A_185, %get3A_108 : vector<16xf32>
        tpu.vector_store_idx %arg10[%shift_right_arithmetic3A_5, %and3A_7, %parallel_loop3A_182], %parallel_loop3A_186 : memref<8x8x129xf32, #tpu.memory_space<vmem>>[vector<16xi32>, vector<16xi32>, vector<16xi32>], vector<16xf32>,
        %parallel_loop3A_187 = arith.index_cast %parallel_loop3A_181 : i32 to index
        %parallel_loop3A_188 = arith.constant 16 : index
        %parallel_loop3A_189 = tpu.vector_load %arg7[%parallel_loop3A_187, %parallel_loop3A_188] {strides = array<i32>} : memref<128x80xf32, #tpu.memory_space<vmem>>, vector<16xf32>,
        %parallel_loop3A_190 = arith.addf %parallel_loop3A_189, %get3A_111 : vector<16xf32>
        tpu.vector_store_idx %arg10[%shift_right_arithmetic3A_14, %and3A_17, %parallel_loop3A_182], %parallel_loop3A_190 : memref<8x8x129xf32, #tpu.memory_space<vmem>>[vector<16xi32>, vector<16xi32>, vector<16xi32>], vector<16xf32>,
        %parallel_loop3A_191 = arith.index_cast %parallel_loop3A_181 : i32 to index
        %parallel_loop3A_192 = arith.constant 32 : index
        %parallel_loop3A_193 = tpu.vector_load %arg7[%parallel_loop3A_191, %parallel_loop3A_192] {strides = array<i32>} : memref<128x80xf32, #tpu.memory_space<vmem>>, vector<16xf32>,
        %parallel_loop3A_194 = arith.addf %parallel_loop3A_193, %get3A_114 : vector<16xf32>
        tpu.vector_store_idx %arg10[%shift_right_arithmetic3A_24, %and3A_27, %parallel_loop3A_182], %parallel_loop3A_194 : memref<8x8x129xf32, #tpu.memory_space<vmem>>[vector<16xi32>, vector<16xi32>, vector<16xi32>], vector<16xf32>,
        %parallel_loop3A_195 = arith.index_cast %parallel_loop3A_181 : i32 to index
        %parallel_loop3A_196 = arith.constant 48 : index
        %parallel_loop3A_197 = tpu.vector_load %arg7[%parallel_loop3A_195, %parallel_loop3A_196] {strides = array<i32>} : memref<128x80xf32, #tpu.memory_space<vmem>>, vector<16xf32>,
        %parallel_loop3A_198 = arith.addf %parallel_loop3A_197, %get3A_117 : vector<16xf32>
        tpu.vector_store_idx %arg10[%shift_right_arithmetic3A_34, %and3A_37, %parallel_loop3A_182], %parallel_loop3A_198 : memref<8x8x129xf32, #tpu.memory_space<vmem>>[vector<16xi32>, vector<16xi32>, vector<16xi32>], vector<16xf32>,
      } {sc.loop_unroll_factor = 4 : i64, sc.parallel_access}
      %dma_start3A_120 = arith.constant 0 : i32
      %dma_start3A_121 = arith.constant 0 : i32
      %dma_start3A_122 = arith.constant 0 : i32
      %dma_start3A_123 = tpu.memref_slice %arg10[%dma_start3A_120, %dma_start3A_121, %dma_start3A_122] : memref<8x8x129xf32, #tpu.memory_space<vmem>> -> memref<8x8x128xf32, #tpu.memory_space<vmem>>
      %dma_start3A_124 = arith.constant 0 : i32
      %dma_start3A_125 = arith.constant 0 : i32
      %dma_start3A_126 = arith.constant 0 : i32
      %dma_start3A_127 = tpu.memref_slice %arg5[%mul3A_90, %dma_start3A_124, %add3A, %dma_start3A_125, %dma_start3A_126] : memref<200x8x32x8x128xf32, #tpu.memory_space<hbm>> -> memref<1x8x1x8x128xf32, #tpu.memory_space<hbm>>
      %dma_start3A_128 = tpu.memref_squeeze %dma_start3A_127 : memref<1x8x1x8x128xf32, #tpu.memory_space<hbm>> -> memref<8x8x128xf32, #tpu.memory_space<hbm>>
      %dma_start3A_129 = arith.constant 0 : i32
      %dma_start3A_130 = arith.constant 0 : i32
      %dma_start3A_131 = arith.constant 0 : i32
      %dma_start3A_132 = tpu.memref_slice %arg5[%mul3A_90, %dma_start3A_129, %add3A, %dma_start3A_130, %dma_start3A_131] : memref<200x8x32x8x128xf32, #tpu.memory_space<hbm>> -> memref<1x8x1x8x128xf32, #tpu.memory_space<hbm>>
      %dma_start3A_133 = tpu.memref_squeeze %dma_start3A_132 : memref<1x8x1x8x128xf32, #tpu.memory_space<hbm>> -> memref<8x8x128xf32, #tpu.memory_space<hbm>>
      %dma_start3A_134 = arith.constant 0 : i32
      %dma_start3A_135 = arith.constant 0 : i32
      %dma_start3A_136 = arith.constant 0 : i32
      %dma_start3A_137 = tpu.memref_slice %arg10[%dma_start3A_134, %dma_start3A_135, %dma_start3A_136] : memref<8x8x129xf32, #tpu.memory_space<vmem>> -> memref<8x8x128xf32, #tpu.memory_space<vmem>>
      tpu.enqueue_dma source(%dma_start3A_137 : memref<8x8x128xf32, #tpu.memory_space<vmem>>) target(%dma_start3A_133 : memref<8x8x128xf32, #tpu.memory_space<hbm>>) target_semaphore(%arg14 : memref<!tpu.dma_semaphore, #tpu.memory_space<semaphore_mem>>)
      %lt3A = arith.constant 99 : i32
      %lt3A_138 = arith.cmpi slt, %scan3A_88, %lt3A : i32
      %convert_element_type3A_139 = arith.extui %lt3A_138 : i1 to i32
      %cond3A_140 = arith.constant 0 : i32
      %cond3A_141 = arith.cmpi ne, %convert_element_type3A_139, %cond3A_140 : i32
      scf.if %cond3A_141 {
        %dma_wait3A_181 = arith.constant 0 : i32
        %dma_wait3A_182 = arith.constant 0 : i32
        %dma_wait3A_183 = arith.constant 0 : i32
        %dma_wait3A_184 = tpu.memref_slice %arg10[%dma_wait3A_181, %dma_wait3A_182, %dma_wait3A_183] : memref<8x8x129xf32, #tpu.memory_space<vmem>> -> memref<8x8x128xf32, #tpu.memory_space<vmem>>
        %dma_wait3A_185 = arith.constant 0 : i32
        %dma_wait3A_186 = arith.constant 0 : i32
        %dma_wait3A_187 = arith.constant 0 : i32
        %dma_wait3A_188 = tpu.memref_slice %arg5[%mul3A_90, %dma_wait3A_185, %add3A, %dma_wait3A_186, %dma_wait3A_187] : memref<200x8x32x8x128xf32, #tpu.memory_space<hbm>> -> memref<1x8x1x8x128xf32, #tpu.memory_space<hbm>>
        %dma_wait3A_189 = tpu.memref_squeeze %dma_wait3A_188 : memref<1x8x1x8x128xf32, #tpu.memory_space<hbm>> -> memref<8x8x128xf32, #tpu.memory_space<hbm>>
        %dma_wait3A_190 = arith.constant 0 : i32
        %dma_wait3A_191 = arith.constant 0 : i32
        %dma_wait3A_192 = arith.constant 0 : i32
        %dma_wait3A_193 = tpu.memref_slice %arg5[%mul3A_90, %dma_wait3A_190, %add3A, %dma_wait3A_191, %dma_wait3A_192] : memref<200x8x32x8x128xf32, #tpu.memory_space<hbm>> -> memref<1x8x1x8x128xf32, #tpu.memory_space<hbm>>
        %dma_wait3A_194 = tpu.memref_squeeze %dma_wait3A_193 : memref<1x8x1x8x128xf32, #tpu.memory_space<hbm>> -> memref<8x8x128xf32, #tpu.memory_space<hbm>>
        %dma_wait3A_195 = arith.constant 0 : i32
        %dma_wait3A_196 = arith.constant 0 : i32
        %dma_wait3A_197 = arith.constant 0 : i32
        %dma_wait3A_198 = tpu.memref_slice %arg10[%dma_wait3A_195, %dma_wait3A_196, %dma_wait3A_197] : memref<8x8x129xf32, #tpu.memory_space<vmem>> -> memref<8x8x128xf32, #tpu.memory_space<vmem>>
        tpu.wait_dma2 semaphore(%arg14 : memref<!tpu.dma_semaphore, #tpu.memory_space<semaphore_mem>>) src(%dma_wait3A_198 : memref<8x8x128xf32, #tpu.memory_space<vmem>>) dst(%dma_wait3A_194 : memref<8x8x128xf32, #tpu.memory_space<hbm>>)
        %add3A_199 = arith.constant 2 : i32
        %add3A_200 = arith.addi %mul3A_90, %add3A_199 : i32
        %dma_start3A_201 = arith.constant 0 : i32
        %dma_start3A_202 = tpu.memref_slice %arg6[%add3A_200, %dma_start3A_201] : memref<200x128xi32, #tpu.memory_space<vmem>> -> memref<1x128xi32, #tpu.memory_space<vmem>>
        %dma_start3A_203 = tpu.memref_squeeze %dma_start3A_202 : memref<1x128xi32, #tpu.memory_space<vmem>> -> memref<128xi32, #tpu.memory_space<vmem>>
        %dma_start3A_204 = arith.constant 0 : i32
        %dma_start3A_205 = arith.constant 0 : i32
        %dma_start3A_206 = tpu.memref_slice %arg2[%dma_start3A_204, %dma_start3A_205] : memref<1000064x80xf32, #tpu.memory_space<hbm>> -> memref<1000064x80xf32, #tpu.memory_space<hbm>>
        tpu.enqueue_indirect_dma source(%dma_start3A_206 : memref<1000064x80xf32, #tpu.memory_space<hbm>>) target(%arg7 : memref<128x80xf32, #tpu.memory_space<vmem>>) offsets(%dma_start3A_203 : memref<128xi32, #tpu.memory_space<vmem>>) semaphore(%arg12 : memref<!tpu.dma_semaphore, #tpu.memory_space<semaphore_mem>>)
      } else {
      }
      %dma_wait3A_142 = arith.constant 0 : i32
      %dma_wait3A_143 = tpu.memref_slice %arg6[%add3A_92, %dma_wait3A_142] : memref<200x128xi32, #tpu.memory_space<vmem>> -> memref<1x128xi32, #tpu.memory_space<vmem>>
      %dma_wait3A_144 = tpu.memref_squeeze %dma_wait3A_143 : memref<1x128xi32, #tpu.memory_space<vmem>> -> memref<128xi32, #tpu.memory_space<vmem>>
      %dma_wait3A_145 = arith.constant 0 : i32
      %dma_wait3A_146 = arith.constant 0 : i32
      %dma_wait3A_147 = tpu.memref_slice %arg2[%dma_wait3A_145, %dma_wait3A_146] : memref<1000064x80xf32, #tpu.memory_space<hbm>> -> memref<1000064x80xf32, #tpu.memory_space<hbm>>
      tpu.wait_indirect_dma semaphore(%arg13 : memref<!tpu.dma_semaphore, #tpu.memory_space<semaphore_mem>>) src(%dma_wait3A_147 : memref<1000064x80xf32, #tpu.memory_space<hbm>>) dst(%arg8 : memref<128x80xf32, #tpu.memory_space<vmem>>)
      %get3A_148 = arith.index_cast %add3A_92 : i32 to index
      %get3A_149 = arith.constant 0 : index
      %get3A_150 = tpu.vector_load %arg9[%get3A_148, %get3A_149] {strides = array<i32>} : memref<200x64xf32, #tpu.memory_space<vmem>>, vector<16xf32>,
      %get3A_151 = arith.index_cast %add3A_92 : i32 to index
      %get3A_152 = arith.constant 16 : index
      %get3A_153 = tpu.vector_load %arg9[%get3A_151, %get3A_152] {strides = array<i32>} : memref<200x64xf32, #tpu.memory_space<vmem>>, vector<16xf32>,
      %get3A_154 = arith.index_cast %add3A_92 : i32 to index
      %get3A_155 = arith.constant 32 : index
      %get3A_156 = tpu.vector_load %arg9[%get3A_154, %get3A_155] {strides = array<i32>} : memref<200x64xf32, #tpu.memory_space<vmem>>, vector<16xf32>,
      %get3A_157 = arith.index_cast %add3A_92 : i32 to index
      %get3A_158 = arith.constant 48 : index
      %get3A_159 = tpu.vector_load %arg9[%get3A_157, %get3A_158] {strides = array<i32>} : memref<200x64xf32, #tpu.memory_space<vmem>>, vector<16xf32>,
      %parallel_loop3A_160 = arith.constant 0 : i32
      %parallel_loop3A_161 = arith.constant 128 : i32
      %parallel_loop3A_162 = arith.constant 1 : i32
      scf.for %parallel_loop3A_181 = %parallel_loop3A_160 to %parallel_loop3A_161 step %parallel_loop3A_162  : i32 {
        %parallel_loop3A_182 = vector.broadcast %parallel_loop3A_181 : i32 to vector<16xi32>
        %parallel_loop3A_183 = arith.index_cast %parallel_loop3A_181 : i32 to index
        %parallel_loop3A_184 = arith.constant 0 : index
        %parallel_loop3A_185 = tpu.vector_load %arg8[%parallel_loop3A_183, %parallel_loop3A_184] {strides = array<i32>} : memref<128x80xf32, #tpu.memory_space<vmem>>, vector<16xf32>,
        %parallel_loop3A_186 = arith.addf %parallel_loop3A_185, %get3A_150 : vector<16xf32>
        tpu.vector_store_idx %arg11[%shift_right_arithmetic3A_5, %and3A_7, %parallel_loop3A_182], %parallel_loop3A_186 : memref<8x8x129xf32, #tpu.memory_space<vmem>>[vector<16xi32>, vector<16xi32>, vector<16xi32>], vector<16xf32>,
        %parallel_loop3A_187 = arith.index_cast %parallel_loop3A_181 : i32 to index
        %parallel_loop3A_188 = arith.constant 16 : index
        %parallel_loop3A_189 = tpu.vector_load %arg8[%parallel_loop3A_187, %parallel_loop3A_188] {strides = array<i32>} : memref<128x80xf32, #tpu.memory_space<vmem>>, vector<16xf32>,
        %parallel_loop3A_190 = arith.addf %parallel_loop3A_189, %get3A_153 : vector<16xf32>
        tpu.vector_store_idx %arg11[%shift_right_arithmetic3A_14, %and3A_17, %parallel_loop3A_182], %parallel_loop3A_190 : memref<8x8x129xf32, #tpu.memory_space<vmem>>[vector<16xi32>, vector<16xi32>, vector<16xi32>], vector<16xf32>,
        %parallel_loop3A_191 = arith.index_cast %parallel_loop3A_181 : i32 to index
        %parallel_loop3A_192 = arith.constant 32 : index
        %parallel_loop3A_193 = tpu.vector_load %arg8[%parallel_loop3A_191, %parallel_loop3A_192] {strides = array<i32>} : memref<128x80xf32, #tpu.memory_space<vmem>>, vector<16xf32>,
        %parallel_loop3A_194 = arith.addf %parallel_loop3A_193, %get3A_156 : vector<16xf32>
        tpu.vector_store_idx %arg11[%shift_right_arithmetic3A_24, %and3A_27, %parallel_loop3A_182], %parallel_loop3A_194 : memref<8x8x129xf32, #tpu.memory_space<vmem>>[vector<16xi32>, vector<16xi32>, vector<16xi32>], vector<16xf32>,
        %parallel_loop3A_195 = arith.index_cast %parallel_loop3A_181 : i32 to index
        %parallel_loop3A_196 = arith.constant 48 : index
        %parallel_loop3A_197 = tpu.vector_load %arg8[%parallel_loop3A_195, %parallel_loop3A_196] {strides = array<i32>} : memref<128x80xf32, #tpu.memory_space<vmem>>, vector<16xf32>,
        %parallel_loop3A_198 = arith.addf %parallel_loop3A_197, %get3A_159 : vector<16xf32>
        tpu.vector_store_idx %arg11[%shift_right_arithmetic3A_34, %and3A_37, %parallel_loop3A_182], %parallel_loop3A_198 : memref<8x8x129xf32, #tpu.memory_space<vmem>>[vector<16xi32>, vector<16xi32>, vector<16xi32>], vector<16xf32>,
      } {sc.loop_unroll_factor = 4 : i64, sc.parallel_access}
      %dma_start3A_163 = arith.constant 0 : i32
      %dma_start3A_164 = arith.constant 0 : i32
      %dma_start3A_165 = arith.constant 0 : i32
      %dma_start3A_166 = tpu.memref_slice %arg11[%dma_start3A_163, %dma_start3A_164, %dma_start3A_165] : memref<8x8x129xf32, #tpu.memory_space<vmem>> -> memref<8x8x128xf32, #tpu.memory_space<vmem>>
      %dma_start3A_167 = arith.constant 0 : i32
      %dma_start3A_168 = arith.constant 0 : i32
      %dma_start3A_169 = arith.constant 0 : i32
      %dma_start3A_170 = tpu.memref_slice %arg5[%add3A_92, %dma_start3A_167, %add3A, %dma_start3A_168, %dma_start3A_169] : memref<200x8x32x8x128xf32, #tpu.memory_space<hbm>> -> memref<1x8x1x8x128xf32, #tpu.memory_space<hbm>>
      %dma_start3A_171 = tpu.memref_squeeze %dma_start3A_170 : memref<1x8x1x8x128xf32, #tpu.memory_space<hbm>> -> memref<8x8x128xf32, #tpu.memory_space<hbm>>
      %dma_start3A_172 = arith.constant 0 : i32
      %dma_start3A_173 = arith.constant 0 : i32
      %dma_start3A_174 = arith.constant 0 : i32
      %dma_start3A_175 = tpu.memref_slice %arg5[%add3A_92, %dma_start3A_172, %add3A, %dma_start3A_173, %dma_start3A_174] : memref<200x8x32x8x128xf32, #tpu.memory_space<hbm>> -> memref<1x8x1x8x128xf32, #tpu.memory_space<hbm>>
      %dma_start3A_176 = tpu.memref_squeeze %dma_start3A_175 : memref<1x8x1x8x128xf32, #tpu.memory_space<hbm>> -> memref<8x8x128xf32, #tpu.memory_space<hbm>>
      %dma_start3A_177 = arith.constant 0 : i32
      %dma_start3A_178 = arith.constant 0 : i32
      %dma_start3A_179 = arith.constant 0 : i32
      %dma_start3A_180 = tpu.memref_slice %arg11[%dma_start3A_177, %dma_start3A_178, %dma_start3A_179] : memref<8x8x129xf32, #tpu.memory_space<vmem>> -> memref<8x8x128xf32, #tpu.memory_space<vmem>>
      tpu.enqueue_dma source(%dma_start3A_180 : memref<8x8x128xf32, #tpu.memory_space<vmem>>) target(%dma_start3A_176 : memref<8x8x128xf32, #tpu.memory_space<hbm>>) target_semaphore(%arg15 : memref<!tpu.dma_semaphore, #tpu.memory_space<semaphore_mem>>)
    }
    %scan3A_50 = arith.constant 100 : i32
    %dma_wait3A = arith.constant 198 : i32
    %dma_wait3A_51 = arith.constant 0 : i32
    %dma_wait3A_52 = arith.constant 0 : i32
    %dma_wait3A_53 = arith.constant 0 : i32
    %dma_wait3A_54 = tpu.memref_slice %arg10[%dma_wait3A_51, %dma_wait3A_52, %dma_wait3A_53] : memref<8x8x129xf32, #tpu.memory_space<vmem>> -> memref<8x8x128xf32, #tpu.memory_space<vmem>>
    %dma_wait3A_55 = arith.constant 0 : i32
    %dma_wait3A_56 = arith.constant 0 : i32
    %dma_wait3A_57 = arith.constant 0 : i32
    %dma_wait3A_58 = tpu.memref_slice %arg5[%dma_wait3A, %dma_wait3A_55, %add3A, %dma_wait3A_56, %dma_wait3A_57] : memref<200x8x32x8x128xf32, #tpu.memory_space<hbm>> -> memref<1x8x1x8x128xf32, #tpu.memory_space<hbm>>
    %dma_wait3A_59 = tpu.memref_squeeze %dma_wait3A_58 : memref<1x8x1x8x128xf32, #tpu.memory_space<hbm>> -> memref<8x8x128xf32, #tpu.memory_space<hbm>>
    %dma_wait3A_60 = arith.constant 0 : i32
    %dma_wait3A_61 = arith.constant 0 : i32
    %dma_wait3A_62 = arith.constant 0 : i32
    %dma_wait3A_63 = tpu.memref_slice %arg5[%dma_wait3A, %dma_wait3A_60, %add3A, %dma_wait3A_61, %dma_wait3A_62] : memref<200x8x32x8x128xf32, #tpu.memory_space<hbm>> -> memref<1x8x1x8x128xf32, #tpu.memory_space<hbm>>
    %dma_wait3A_64 = tpu.memref_squeeze %dma_wait3A_63 : memref<1x8x1x8x128xf32, #tpu.memory_space<hbm>> -> memref<8x8x128xf32, #tpu.memory_space<hbm>>
    %dma_wait3A_65 = arith.constant 0 : i32
    %dma_wait3A_66 = arith.constant 0 : i32
    %dma_wait3A_67 = arith.constant 0 : i32
    %dma_wait3A_68 = tpu.memref_slice %arg10[%dma_wait3A_65, %dma_wait3A_66, %dma_wait3A_67] : memref<8x8x129xf32, #tpu.memory_space<vmem>> -> memref<8x8x128xf32, #tpu.memory_space<vmem>>
    tpu.wait_dma2 semaphore(%arg14 : memref<!tpu.dma_semaphore, #tpu.memory_space<semaphore_mem>>) src(%dma_wait3A_68 : memref<8x8x128xf32, #tpu.memory_space<vmem>>) dst(%dma_wait3A_64 : memref<8x8x128xf32, #tpu.memory_space<hbm>>)
    %dma_wait3A_69 = arith.constant 199 : i32
    %dma_wait3A_70 = arith.constant 0 : i32
    %dma_wait3A_71 = arith.constant 0 : i32
    %dma_wait3A_72 = arith.constant 0 : i32
    %dma_wait3A_73 = tpu.memref_slice %arg11[%dma_wait3A_70, %dma_wait3A_71, %dma_wait3A_72] : memref<8x8x129xf32, #tpu.memory_space<vmem>> -> memref<8x8x128xf32, #tpu.memory_space<vmem>>
    %dma_wait3A_74 = arith.constant 0 : i32
    %dma_wait3A_75 = arith.constant 0 : i32
    %dma_wait3A_76 = arith.constant 0 : i32
    %dma_wait3A_77 = tpu.memref_slice %arg5[%dma_wait3A_69, %dma_wait3A_74, %add3A, %dma_wait3A_75, %dma_wait3A_76] : memref<200x8x32x8x128xf32, #tpu.memory_space<hbm>> -> memref<1x8x1x8x128xf32, #tpu.memory_space<hbm>>
    %dma_wait3A_78 = tpu.memref_squeeze %dma_wait3A_77 : memref<1x8x1x8x128xf32, #tpu.memory_space<hbm>> -> memref<8x8x128xf32, #tpu.memory_space<hbm>>
    %dma_wait3A_79 = arith.constant 0 : i32
    %dma_wait3A_80 = arith.constant 0 : i32
    %dma_wait3A_81 = arith.constant 0 : i32
    %dma_wait3A_82 = tpu.memref_slice %arg5[%dma_wait3A_69, %dma_wait3A_79, %add3A, %dma_wait3A_80, %dma_wait3A_81] : memref<200x8x32x8x128xf32, #tpu.memory_space<hbm>> -> memref<1x8x1x8x128xf32, #tpu.memory_space<hbm>>
    %dma_wait3A_83 = tpu.memref_squeeze %dma_wait3A_82 : memref<1x8x1x8x128xf32, #tpu.memory_space<hbm>> -> memref<8x8x128xf32, #tpu.memory_space<hbm>>
    %dma_wait3A_84 = arith.constant 0 : i32
    %dma_wait3A_85 = arith.constant 0 : i32
    %dma_wait3A_86 = arith.constant 0 : i32
    %dma_wait3A_87 = tpu.memref_slice %arg11[%dma_wait3A_84, %dma_wait3A_85, %dma_wait3A_86] : memref<8x8x129xf32, #tpu.memory_space<vmem>> -> memref<8x8x128xf32, #tpu.memory_space<vmem>>
    tpu.wait_dma2 semaphore(%arg15 : memref<!tpu.dma_semaphore, #tpu.memory_space<semaphore_mem>>) src(%dma_wait3A_87 : memref<8x8x128xf32, #tpu.memory_space<vmem>>) dst(%dma_wait3A_83 : memref<8x8x128xf32, #tpu.memory_space<hbm>>)
    return
  }
}

</mosaic_0001>

<sc_bundles>
// kernel: kernel.4.cloned.1.call-start
scs
__scs_entry_jumppad:
0x0: {  	(pc) =	sbr.rel $0x88, $3  }
0x1: {  	(tag) =	ssettag $0x0;
	lr =	simm.s32 $0x1  }
0x2: {  	[smem:$0x3F9E] =	sst lr;
	_ =	strace $0xD0000000  }
0x3: {  	_ = 	snop  }
0x4: {  	_ = 	snop  }
0x5: {  	_ = 	snop  }
0x6: {  	_ = 	snop  }
0x7: {  	_ = 	snop  }
__scs_overlays_trampoline_lowered:
0x8: {  	[smem:$0x3FAD] =	sst s0  }
0x9: {  	[smem:$0x3FAE] =	sst s1  }
0xa: {  	[smem:$0x3FAF] =	sst s2  }
0xb: {  	[smem:$0x3FB0] =	sst s3  }
0xc: {  	[smem:$0x3FB1] =	sst s4  }
0xd: {  	[smem:$0x3FB2] =	sst s5  }
0xe: {  	[smem:$0x3FB3] =	sst s6  }
0xf: {  	[smem:$0x3FB4] =	sst s7  }
0x10: {  	[smem:$0x3FB5] =	sst s8  }
0x11: {  	[smem:$0x3FB6] =	sst s9;
	s0 =	simm.s32 @!p0 $0x0  }
0x12: {  	s1 =	sld [smem:$0x3F9C];
	s0 =	simm.s32 @p0 $0x1  }
0x13: {  	[smem:$0x3FB7] =	sst s0;
	s0 =	simm.s32 @!p1 $0x0  }
0x14: {  	s2 =	sld [smem:$0x3F9B];
	s0 =	simm.s32 @p1 $0x1  }
0x15: {  	[smem:$0x3FB8] =	sst s0;
	s0 =	simm.s32 @!p2 $0x0  }
0x16: {  	s3 =	sld [smem:$0x3FDB];
	s0 =	simm.s32 @p2 $0x1  }
0x17: {  	s4 =	simm.s32 $0x1BF5;
	[smem:$0x3FBA] =	sst s0  }
0x18: {  	s0 =	sld [smem:$0x3F9D];
	_ =	swait.ge [sflag:s4], $0x0  }
0x19: {  	s7 =	sld [smem:$0x3F9E]  }
0x1a: {  	s8 =	sadd.s32 $0xFFFFE003, lr  }
0x1b: {  	s9 =	sadd.s32 $0xFFFFFEF7, lr;
	s5 =	simm.s32 $0xFFFFFFFF;
	p2 =	slt.u32 s8, $0xFFFFF086  }
0x1c: {  	p1 =	slt.u32 s9, $0xF7A;
	s5 =	simm.s32 @!p2 $0x0  }
0x1d: {  	s5 =	simm.s32 @p1 $0x1;
	p0 =	seq.s32 s7, s2  }
0x1e: {  	s7 =	smul.u32 @!p0 $0xF7A, s2;
	p2 =	seq.s32 @!p0 s5, $0x0  }
0x1f: {  	s9 =	smul.u32 $0xF7A, s1;
	s8 =	simm.s32 @!p0 $0x1BF5;
	p2 =	por !p2, p0  }
0x20: {  	[sflag:s8] =	ssyncset.s32 @!p0 $0xFFFFF086;
	s6 =	sadd.s32 @!p0 s3, s7;
	s7 =	simm.s32 @!p0 $0x108  }
0x21: {  	s3 =	sadd.s32 s3, s9;
	s6 =	sadd.s32 @!p0 $0x88, s6;
	s7 =	simm.s32 @p2 $0x1082  }
0x22: {  	[simem:s7], [sflag:s8] =	dma.local @!p0 [hbm:s6], $0xF7A  }
0x23: {  	s9 =	sor.u32 $0xD0000000, s2;
	s6 =	simm.s32 $0x108;
	_ =	swait.ge @!p0 [sflag:s8], $0x0  }
0x24: {  	s3 =	sadd.s32 $0x88, s3;
	s6 =	simm.s32 @!p1 $0x1082;
	[sflag:s4] =	ssyncset.s32 $0xFFFFF086  }
0x25: {  	[simem:s6], [sflag:s4] =	dma.local [hbm:s3], $0xF7A  }
0x26: {  	[smem:$0x3F9E] =	sst s1;
	(tag) =	ssettag s2;
	_ =	strace s9  }
0x27: {  	s1 =	sld [smem:$0x3FAE]  }
0x28: {  	s2 =	sld [smem:$0x3FAF]  }
0x29: {  	s4 =	sld [smem:$0x3FB1]  }
0x2a: {  	p0 =	seq.s32 s5, $0x0;
	s5 =	sld [smem:$0x3FB2]  }
0x2b: {  	s6 =	sld [smem:$0x3FB3]  }
0x2c: {  	s7 =	sld [smem:$0x3FB4]  }
0x2d: {  	s3 =	simm.s32 $0x108;
	s8 =	sld [smem:$0x3FB5]  }
0x2e: {  	s3 =	simm.s32 @!p0 $0x1082;
	s9 =	sld [smem:$0x3FB6]  }
0x2f: {  	lr =	sadd.s32 s0, s3;
	s0 =	sld [smem:$0x3FAD]  }
0x30: {  	s3 =	sld [smem:$0x3FB0]  }
0x31: {  	[smem:$0x3FB9] =	sst s10  }
0x32: {  	s10 =	sld [smem:$0x3FB7];
	_ =	sdelay $0x3  }
0x33: {  	p0 =	seq.s32 s10, $0x1;
	s10 =	sld [smem:$0x3FB9];
	_ =	sdelay $0x3  }
0x34: {  	[smem:$0x3FB9] =	sst s10  }
0x35: {  	s10 =	sld [smem:$0x3FB8];
	_ =	sdelay $0x3  }
0x36: {  	p1 =	seq.s32 s10, $0x1;
	s10 =	sld [smem:$0x3FB9];
	_ =	sdelay $0x3  }
0x37: {  	[smem:$0x3FB9] =	sst s10  }
0x38: {  	s10 =	sld [smem:$0x3FBA]  }
0x39: {  	_ = 	snop;
	(pc) =	sbr.ind lr, $3  }
0x3a: {  	_ = 	snop  }
0x3b: {  	_ = 	snop  }
0x3c: {  	p2 =	seq.s32 s10, $0x1;
	s10 =	sld [smem:$0x3FB9]  }
0x3d: {  	_ =	shalt  }
0x3e: {  	_ =	shalt  }
0x3f: {  	_ =	shalt  }
0x40: {  	_ =	shalt  }
0x41: {  	_ =	shalt  }
0x42: {  	_ =	shalt  }
0x43: {  	_ =	shalt  }
0x44: {  	_ =	shalt  }
0x45: {  	_ =	shalt  }
0x46: {  	_ =	shalt  }
0x47: {  	_ =	shalt  }
0x48: {  	_ =	shalt  }
0x49: {  	_ =	shalt  }
0x4a: {  	_ =	shalt  }
0x4b: {  	_ =	shalt  }
0x4c: {  	_ =	shalt  }
0x4d: {  	_ =	shalt  }
0x4e: {  	_ =	shalt  }
0x4f: {  	_ =	shalt  }
0x50: {  	_ =	shalt  }
0x51: {  	_ =	shalt  }
0x52: {  	_ =	shalt  }
0x53: {  	_ =	shalt  }
0x54: {  	_ =	shalt  }
0x55: {  	_ =	shalt  }
0x56: {  	_ =	shalt  }
0x57: {  	_ =	shalt  }
0x58: {  	_ =	shalt  }
0x59: {  	_ =	shalt  }
0x5a: {  	_ =	shalt  }
0x5b: {  	_ =	shalt  }
0x5c: {  	_ =	shalt  }
0x5d: {  	_ =	shalt  }
0x5e: {  	_ =	shalt  }
0x5f: {  	_ =	shalt  }
0x60: {  	_ =	shalt  }
0x61: {  	_ =	shalt  }
0x62: {  	_ =	shalt  }
0x63: {  	_ =	shalt  }
0x64: {  	_ =	shalt  }
0x65: {  	_ =	shalt  }
0x66: {  	_ =	shalt  }
0x67: {  	_ =	shalt  }
0x68: {  	_ =	shalt  }
0x69: {  	_ =	shalt  }
0x6a: {  	_ =	shalt  }
0x6b: {  	_ =	shalt  }
0x6c: {  	_ =	shalt  }
0x6d: {  	_ =	shalt  }
0x6e: {  	_ =	shalt  }
0x6f: {  	_ =	shalt  }
0x70: {  	_ =	shalt  }
0x71: {  	_ =	shalt  }
0x72: {  	_ =	shalt  }
0x73: {  	_ =	shalt  }
0x74: {  	_ =	shalt  }
0x75: {  	_ =	shalt  }
0x76: {  	_ =	shalt  }
0x77: {  	_ =	shalt  }
0x78: {  	_ =	shalt  }
0x79: {  	_ =	shalt  }
0x7a: {  	_ =	shalt  }
0x7b: {  	_ =	shalt  }
0x7c: {  	_ =	shalt  }
0x7d: {  	_ =	shalt  }
0x7e: {  	_ =	shalt  }
0x7f: {  	_ =	shalt  }
0x80: {  	_ =	shalt  }
0x81: {  	_ =	shalt  }
0x82: {  	_ =	shalt  }
0x83: {  	_ =	shalt  }
0x84: {  	_ =	shalt  }
0x85: {  	_ =	shalt  }
0x86: {  	_ =	shalt  }
0x87: {  	_ =	shalt  }
.Lfunc_end0:
.L_simem_size_0:
called_computation_lowered:
.L_overlay_start_0:
0x88: {  	s2 =	sld [smem:$0x3FD9]  }
0x89: {  	s3 =	sld [smem:$0x3FFE];
	_ =	sdelay $0x1  }
0x8a: {  	s1 =	srdreg.scid  }
0x8b: {  	s0 =	sand.u32 $0x1, s1  }
0x8c: {  	s17 =	sshll.u32 s0, $0xA;
	s2 =	sadd.s32 s3, s2  }
0x8d: {  	s2 =	sadd.s32 s2, s17  }
0x8e: {  	[smem:$0x3FC5] =	sst s2  }
0x8f: {  	_ = 	snop  }
0x90: {  	s2 =	sld [smem:$0x3FC8];
	(tm) =	ssettm $0x1  }
0x91: {  	s18 =	sld [smem:$0x3FFB];
	_ =	sdelay $0x3  }
0x92: {  	_ =	strace s18  }
0x93: {  	s3 =	sld [smem:$0x3FFC];
	_ =	sdelay $0x3  }
0x94: {  	_ =	strace s3  }
0x95: {  	s3 =	sld [smem:$0x3FFD];
	_ =	sdelay $0x3  }
0x96: {  	_ =	strace s3  }
0x97: {  	_ =	strace $0x8FFFFFFF  }
0x98: {  	s19 =	sld [smem:$0x3FDB];
	_ =	sdelay $0x1  }
0x99: {  	s4 =	simm.s32 $_scs_section_size  }
0x9a: {  	s5 =	simm.s32 $_size__tile_overlayer_lowered;
	s6 =	simm.s32 $_tile_overlayer_lowered  }
0x9b: {  	s22 =	simm.s32 $0x1BFF;
	s21 =	sshll.u32 s6, $0x1;
	s3 =	sadd.s32 s4, s19  }
0x9c: {  	s7 =	simm.s32 $0x0;
	s20 =	sshll.u32 s5, $0x1;
	s5 =	sadd.s32 s21, s3  }
0x9d: {  	[timem:s7], [sflag:s22] =	dma.local [hbm:s5], s20  }
0x9e: {  	_ =	swait.ge [sflag:s22], s20  }
0x9f: {  	s4 =	ssub.s32 $0x0, s20;
	[sflag:s22] =	ssyncset.done $0x0  }
0xa0: {  	[sflag:s22] =	ssyncadd.s32 s4;
	_ =	sdelay $0x1  }
0xa1: {  	s23 =	simm.s32 $0x1B8B  }
0xa2: {  	_ =	swait.ge [sflag:s23], $0x1  }
0xa3: {  	[sflag:s23] =	ssyncset.done $0x0  }
0xa4: {  	s25 =	simm.s32 $0x1B8E;
	s24 =	sld [smem:$0x3FFE];
	[sflag:s23] =	ssyncadd.s32 $0xFFFFFFFF  }
0xa5: {  	s26 =	simm.s32 $execute0_lowered;
	[smem:$0x3FD2] =	sst s25  }
0xa6: {  	s5 =	sshll.u32 s26, $0x1;
	_ =	strace $0x80000046;
	[dreg:$0x1] =	wrdreg $0xFFFFFFFF  }
0xa7: {  	s28 =	simm.s32 $_size_execute0_lowered;
	s3 =	sadd.s32 s3, s5;
	[dreg:$0x0] =	wrdreg $0x0  }
0xa8: {  	s5 =	sshll.u32 s28, $0x1;
	[dreg:$0x2] =	wrdreg s3  }
0xa9: {  	[dreg:$0x3] =	wrdreg s5  }
0xaa: {  	[dreg:$0x4] =	wrdreg $0xC0  }
0xab: {  	_ =	task [dreg:s7], $0x5FFFF  }
0xac: {  	[dreg:$0x1] =	wrdreg $0xFFFFFFFF  }
0xad: {  	[dreg:$0x0] =	wrdreg $0x60  }
0xae: {  	[dreg:$0x2] =	wrdreg s2  }
0xaf: {  	[dreg:$0x3] =	wrdreg s24  }
0xb0: {  	[dreg:$0x4] =	wrdreg $0x9  }
0xb1: {  	_ =	task.clear_ibuf [dreg:s7], $0x5FFFF;
	_ =	strace $0x90000046  }
0xb2: {  	s29 =	simm.s32 $0x9;
	_ =	strace $0x80000048  }
0xb3: {  	_ =	swait.ge [sflag:s29], $0x1  }
0xb4: {  	[sflag:s29] =	ssyncadd.s32 $0xFFFFFFFF  }
0xb5: {  	_ =	strace $0x90000048  }
0xb6: {  	_ =	sfence  }
0xb7: {  	s30 =	sld [smem:$0x0];
	_ =	sdelay $0x2  }
0xb8: {  	s31 =	sshll.u32 s1, $0xD;
	s1 =	sshrl.u32 s1, $0x2  }
0xb9: {  	s3 =	sand.u32 $0x4000, s31;
	s1 =	sadd.s32 s1, s30  }
0xba: {  	s0 =	sor.u32 s3, s0;
	s1 =	sshll.u32 s1, $0x11  }
0xbb: {  	s0 =	sor.u32 s1, s0  }
0xbc: {  	s0 =	sadd.s32 $0x8F2B, s0  }
0xbd: {  	[sflag:s0] =	ssyncadd.remote.s32 $0x1  }
0xbe: {  	_ =	sfence.sel $0xFFFF  }
0xbf: {  	[dreg:$0x0] =	wrdreg $0xFFFFFFFF;
	(pc) =	sbr.abs _section_cstart, $3  }
0xc0: {  	[dreg:$0x1] =	wrdreg $0xFFFFFFFF  }
0xc1: {  	_ =	task.clear_ibuf [dreg:s7], $0x2FFFF;
	_ =	strace $0x9FFFFFFF  }
0xc2: {  	(tm) =	ssettm $0x7FFFFFFF  }
0xc3: {  	_ =	shalt  }
tec
execute0_lowered:
.L_overlay_start_1:
0x0: {  	(tag) =	ssettag $0x1  }
0x1: {  	s2 =	rddreg [dreg:$0x0]  }
0x2: {  	s5 =	rddreg [dreg:$0x1]  }
0x3: {  	s0 =	rddreg [dreg:$0x2]  }
0x4: {  	s4 =	srdreg.scid;
	s1 =	stileid.u32;
	s3 =	simm.s32 $0x0  }
0x5: {  	s9 =	simm.s32 $0x7A1400;
	s10 =	simm.s32 $0x1;
	s11 =	simm.s32 $0x4000  }
0x6: {  	v0 =	vlaneseq.u32;
	s12 =	simm.s32 $0x4;
	s13 =	simm.s32 $0x2;
	s14 =	simm.s32 $0x3  }
.Ltmp0:
0x7: {  	s15 =	simm.s32 $0x0;
	s4 =	sand.u32 $0x1, s4;
	v0 =	vmul.u32 $0x50, v0;
	(pc) =	sbr.rel .LBB2_1-.Ltmp0, $4  }
0x8: {  	s6 =	sshll.u32 s1, $0x1;
	[smem:$0x7FF] =	sst s3;
	s7 =	ssub.s32 $0x2, s4  }
0x9: {  	s5 =	sadd.s32 $0xC00, s5;
	s4 =	sor.u32 s4, s6;
	s31 =	sshrl.u32 s7, $0x1;
	v1 =	vadd.s32 $0x500, v0  }
0xa: {  	_ =	strace $0x80000047;
	s8 =	sshll.u32 s4, $0x7;
	v2 =	vadd.s32 $0xA00, v0;
	v3 =	vadd.s32 $0xF00, v0;
	v4 =	vadd.s32 $0x1400, v0;
	s7 =	ssub.s32 s7, s31  }
0xb: {  	v5 =	vadd.s32 $0x1900, v0;
	v6 =	vadd.s32 $0x1E00, v0;
	v7 =	vadd.s32 $0x2300, v0;
	s6 =	sadd.s32 s2, s8;
	s8 =	simm.s32 $0x400;
	s7 =	smax.u32 s7, $0x1  }
.LBB2_11:
0xc: {  	s15 =	sadd.s32 $0x1, s15  }
0xd: {  	p0 =	sne.s32 s15, s7  }
.Ltmp1:
0xe: {  	_ = 	snop;
	(pc) =	sbr.rel @!p0 .LBB2_12-.Ltmp1, $1  }
0xf: {  	_ =	sdelay $0x3  }
.LBB2_1:
.Ltmp2:
0x10: {  	(pc) =	sbr.rel .LBB2_2-.Ltmp2, $3  }
0x11: {  	_ =	sdelay $0x1  }
0x12: {  	[tilespmem:s3], [sflag:$0x1] =	stream.strided.gather [hbm4b:s6+s8], $0x2000, s9, s8, $0x38;
	[tilespmem:$0x6800] =	vst v63  }
0x13: {  	s16 =	simm.s32 $0x0  }
.LBB2_10:
0x14: {  	s16 =	sadd.s32 $0x1, s16  }
0x15: {  	p0 =	sne.s32 s16, $0xF5  }
.Ltmp3:
0x16: {  	_ = 	snop;
	(pc) =	sbr.rel @!p0 .LBB2_11-.Ltmp3, $1  }
0x17: {  	_ =	sdelay $0x3  }
.LBB2_2:
0x18: {  	s17 =	sshll.u32 s16, $0x5;
	s18 =	sand.u32 $0x1, s16  }
0x19: {  	s17 =	sor.u32 s4, s17;
	p1 =	seq.s32 s18, $0x1  }
0x1a: {  	p0 =	sgt.u32 @!p1 s17, $0x1E84  }
0x1b: {  	p2 =	por p1, p0  }
.Ltmp4:
0x1c: {  	_ = 	snop;
	(pc) =	sbr.rel @p2 .LBB2_6-.Ltmp4, $3  }
0x1d: {  	_ =	sdelay $0x1  }
0x1e: {  	s18 =	sadd.s32 $0x20, s17;
	p0 =	sgt.u32 s17, $0x1E64  }
0x1f: {  	s18 =	sshll.u32 @!p0 s18, $0x7  }
0x20: {  	s19 =	sadd.s32 @!p0 s2, s18  }
0x21: {  	s20 =	simm.s32 @!p0 $0x400;
	s21 =	simm.s32 @!p0 $0x7A1400;
	s22 =	simm.s32 @!p0 $0x2000  }
0x22: {  	[tilespmem:s22], [sflag:$0x2] =	stream.strided.gather @!p0 [hbm4b:s19+s20], $0x2000, s21, s20, $0x38;
	[tilespmem:$0x6800] =	vst v63  }
0x23: {  	_ =	swait.ge [sflag:s10], $0x2000  }
0x24: {  	[sflag:s10] =	ssyncset.done $0x0  }
0x25: {  	s24 =	simm.s32 $0x100;
	s29 =	simm.s32 $0x3;
	[sflag:s10] =	ssyncadd.s32 $0xFFFFE000  }
0x26: {  	s26 =	simm.s32 $0x2;
	v9 =	vadd.s32 s29, v0;
	v8 =	vld [tilespmem:s24+$0x80]  }
0x27: {  	s28 =	simm.s32 $0x1;
	v13 =	vadd.s32 s26, v0;
	v12 =	vld [tilespmem:s24+$0x0]  }
0x28: {  	v11 =	vadd.s32 s28, v0;
	v10 =	vld [tilespmem:s24+$0xFFFFFF80];
	_ =	sdelay $0x1  }
0x29: {  	s25 =	simm.s32 $0x0  }
0x2a: {  	v15 =	vadd.s32 s25, v0;
	v14 =	vld [tilespmem:s24+$0xFFFFFF00];
	[tilespmem:v9+s11+$0x0] =	vst.idx.msk $0xffff, v8  }
0x2b: {  	v9 =	vadd.s32 s29, v1;
	[tilespmem:v13+s11+$0x0] =	vst.idx.msk $0xffff, v12;
	v8 =	vld [tilespmem:s24+$0x90]  }
0x2c: {  	[tilespmem:v11+s11+$0x0] =	vst.idx.msk $0xffff, v10;
	v13 =	vadd.s32 s26, v1;
	v12 =	vld [tilespmem:s24+$0x10]  }
0x2d: {  	v11 =	vadd.s32 s28, v1;
	v10 =	vld [tilespmem:s24+$0xFFFFFF90];
	_ =	sdelay $0x1  }
0x2e: {  	[tilespmem:v15+s11+$0x0] =	vst.idx.msk $0xffff, v14  }
0x2f: {  	v15 =	vadd.s32 s25, v1;
	v14 =	vld [tilespmem:s24+$0xFFFFFF10];
	[tilespmem:v9+s11+$0x0] =	vst.idx.msk $0xffff, v8  }
0x30: {  	v9 =	vadd.s32 s29, v2;
	[tilespmem:v13+s11+$0x0] =	vst.idx.msk $0xffff, v12;
	v8 =	vld [tilespmem:s24+$0xA0]  }
0x31: {  	[tilespmem:v11+s11+$0x0] =	vst.idx.msk $0xffff, v10;
	v13 =	vadd.s32 s26, v2;
	v12 =	vld [tilespmem:s24+$0x20]  }
0x32: {  	v11 =	vadd.s32 s28, v2;
	v10 =	vld [tilespmem:s24+$0xFFFFFFA0];
	_ =	sdelay $0x1  }
0x33: {  	[tilespmem:v15+s11+$0x0] =	vst.idx.msk $0xffff, v14  }
0x34: {  	v15 =	vadd.s32 s25, v2;
	v14 =	vld [tilespmem:s24+$0xFFFFFF20];
	[tilespmem:v9+s11+$0x0] =	vst.idx.msk $0xffff, v8  }
0x35: {  	v9 =	vadd.s32 s29, v3;
	[tilespmem:v13+s11+$0x0] =	vst.idx.msk $0xffff, v12;
	v8 =	vld [tilespmem:s24+$0xB0]  }
0x36: {  	[tilespmem:v11+s11+$0x0] =	vst.idx.msk $0xffff, v10;
	v13 =	vadd.s32 s26, v3;
	v12 =	vld [tilespmem:s24+$0x30]  }
0x37: {  	v11 =	vadd.s32 s28, v3;
	v10 =	vld [tilespmem:s24+$0xFFFFFFB0];
	_ =	sdelay $0x1  }
0x38: {  	[tilespmem:v15+s11+$0x0] =	vst.idx.msk $0xffff, v14  }
0x39: {  	v15 =	vadd.s32 s25, v3;
	v14 =	vld [tilespmem:s24+$0xFFFFFF30];
	[tilespmem:v9+s11+$0x0] =	vst.idx.msk $0xffff, v8  }
0x3a: {  	v9 =	vadd.s32 s29, v4;
	[tilespmem:v13+s11+$0x0] =	vst.idx.msk $0xffff, v12;
	v8 =	vld [tilespmem:s24+$0xC0]  }
0x3b: {  	[tilespmem:v11+s11+$0x0] =	vst.idx.msk $0xffff, v10;
	v13 =	vadd.s32 s26, v4;
	v12 =	vld [tilespmem:s24+$0x40]  }
0x3c: {  	v11 =	vadd.s32 s28, v4;
	v10 =	vld [tilespmem:s24+$0xFFFFFFC0]  }
0x3d: {  	s23 =	simm.s32 $0x7;
	s19 =	simm.s32 $0x300  }
0x3e: {  	v17 =	vadd.s32 s23, v0;
	v16 =	vld [tilespmem:s19+$0x80];
	[tilespmem:v15+s11+$0x0] =	vst.idx.msk $0xffff, v14  }
0x3f: {  	s22 =	simm.s32 $0x5;
	v15 =	vadd.s32 s25, v4;
	v14 =	vld [tilespmem:s24+$0xFFFFFF40];
	[tilespmem:v9+s11+$0x0] =	vst.idx.msk $0xffff, v8  }
0x40: {  	[tilespmem:v13+s11+$0x0] =	vst.idx.msk $0xffff, v12;
	v12 =	vld [tilespmem:s19+$0xFFFFFF80];
	v13 =	vadd.s32 s22, v0  }
0x41: {  	[tilespmem:v11+s11+$0x0] =	vst.idx.msk $0xffff, v10;
	v9 =	vadd.s32 s29, v5;
	v8 =	vld [tilespmem:s24+$0xD0]  }
0x42: {  	v11 =	vadd.s32 s28, v5;
	v10 =	vld [tilespmem:s24+$0xFFFFFFD0]  }
0x43: {  	s21 =	simm.s32 $0x6;
	[tilespmem:v17+s11+$0x0] =	vst.idx.msk $0xffff, v16  }
0x44: {  	s20 =	simm.s32 $0x4;
	[tilespmem:v15+s11+$0x0] =	vst.idx.msk $0xffff, v14;
	v14 =	vld [tilespmem:s19+$0x0];
	v15 =	vadd.s32 s21, v0  }
0x45: {  	v19 =	vadd.s32 s20, v0;
	v18 =	vld [tilespmem:s19+$0xFFFFFF00];
	[tilespmem:v13+s11+$0x0] =	vst.idx.msk $0xffff, v12  }
0x46: {  	v12 =	vld [tilespmem:s19+$0x90];
	v13 =	vadd.s32 s23, v1;
	[tilespmem:v9+s11+$0x0] =	vst.idx.msk $0xffff, v8  }
0x47: {  	[tilespmem:v11+s11+$0x0] =	vst.idx.msk $0xffff, v10;
	v10 =	vld [tilespmem:s24+$0x50];
	v11 =	vadd.s32 s26, v5  }
0x48: {  	v9 =	vadd.s32 s29, v6;
	v8 =	vld [tilespmem:s24+$0xE0]  }
0x49: {  	v17 =	vadd.s32 s22, v1;
	[tilespmem:v15+s11+$0x0] =	vst.idx.msk $0xffff, v14;
	v16 =	vld [tilespmem:s19+$0xFFFFFF90]  }
0x4a: {  	[tilespmem:v19+s11+$0x0] =	vst.idx.msk $0xffff, v18;
	v15 =	vadd.s32 s21, v1;
	v14 =	vld [tilespmem:s19+$0x10]  }
0x4b: {  	v19 =	vadd.s32 s20, v1;
	v18 =	vld [tilespmem:s19+$0xFFFFFF10];
	[tilespmem:v13+s11+$0x0] =	vst.idx.msk $0xffff, v12  }
0x4c: {  	v13 =	vadd.s32 s23, v2;
	[tilespmem:v11+s11+$0x0] =	vst.idx.msk $0xffff, v10;
	v12 =	vld [tilespmem:s19+$0xA0]  }
0x4d: {  	v10 =	vld [tilespmem:s24+$0xFFFFFF50];
	v11 =	vadd.s32 s25, v5;
	[tilespmem:v9+s11+$0x0] =	vst.idx.msk $0xffff, v8  }
0x4e: {  	[tilespmem:v17+s11+$0x0] =	vst.idx.msk $0xffff, v16;
	v9 =	vadd.s32 s29, v7;
	v8 =	vld [tilespmem:s24+$0xF0]  }
0x4f: {  	v17 =	vadd.s32 s22, v2;
	[tilespmem:v15+s11+$0x0] =	vst.idx.msk $0xffff, v14;
	v16 =	vld [tilespmem:s19+$0xFFFFFFA0]  }
0x50: {  	[tilespmem:v19+s11+$0x0] =	vst.idx.msk $0xffff, v18;
	v15 =	vadd.s32 s21, v2;
	v14 =	vld [tilespmem:s19+$0x20]  }
0x51: {  	v19 =	vadd.s32 s20, v2;
	v18 =	vld [tilespmem:s19+$0xFFFFFF20];
	[tilespmem:v13+s11+$0x0] =	vst.idx.msk $0xffff, v12  }
0x52: {  	[tilespmem:v11+s11+$0x0] =	vst.idx.msk $0xffff, v10;
	v13 =	vadd.s32 s23, v3;
	v12 =	vld [tilespmem:s19+$0xB0]  }
0x53: {  	[tilespmem:v9+s11+$0x0] =	vst.idx.msk $0xffff, v8;
	v8 =	vld [tilespmem:s24+$0xFFFFFFE0];
	v9 =	vadd.s32 s28, v6  }
0x54: {  	v10 =	vld [tilespmem:s24+$0x60];
	v11 =	vadd.s32 s26, v6;
	[tilespmem:v17+s11+$0x0] =	vst.idx.msk $0xffff, v16  }
0x55: {  	v17 =	vadd.s32 s22, v3;
	[tilespmem:v15+s11+$0x0] =	vst.idx.msk $0xffff, v14;
	v16 =	vld [tilespmem:s19+$0xFFFFFFB0]  }
0x56: {  	[tilespmem:v19+s11+$0x0] =	vst.idx.msk $0xffff, v18;
	v15 =	vadd.s32 s21, v3;
	v14 =	vld [tilespmem:s19+$0x30]  }
0x57: {  	v19 =	vadd.s32 s20, v3;
	v18 =	vld [tilespmem:s19+$0xFFFFFF30];
	[tilespmem:v13+s11+$0x0] =	vst.idx.msk $0xffff, v12  }
0x58: {  	[tilespmem:v9+s11+$0x0] =	vst.idx.msk $0xffff, v8;
	v8 =	vld [tilespmem:s24+$0xFFFFFF60];
	v9 =	vadd.s32 s25, v6  }
0x59: {  	[tilespmem:v11+s11+$0x0] =	vst.idx.msk $0xffff, v10;
	v13 =	vadd.s32 s23, v4;
	v12 =	vld [tilespmem:s19+$0xC0]  }
0x5a: {  	v11 =	vadd.s32 s28, v7;
	[tilespmem:v17+s11+$0x0] =	vst.idx.msk $0xffff, v16;
	v10 =	vld [tilespmem:s24+$0xFFFFFFF0]  }
0x5b: {  	v21 =	vadd.s32 s22, v4;
	[tilespmem:v15+s11+$0x0] =	vst.idx.msk $0xffff, v14;
	v20 =	vld [tilespmem:s19+$0xFFFFFFC0]  }
0x5c: {  	[tilespmem:v19+s11+$0x0] =	vst.idx.msk $0xffff, v18;
	v19 =	vadd.s32 s21, v4;
	v18 =	vld [tilespmem:s19+$0x40]  }
0x5d: {  	v16 =	vld [tilespmem:s19+$0xFFFFFF40];
	v17 =	vadd.s32 s20, v4;
	[tilespmem:v9+s11+$0x0] =	vst.idx.msk $0xffff, v8  }
0x5e: {  	v15 =	vadd.s32 s26, v7;
	v9 =	vld [tilespmem:s24+$0x70];
	[tilespmem:v13+s11+$0x0] =	vst.idx.msk $0xffff, v12  }
0x5f: {  	v14 =	vadd.s32 s25, v7;
	[tilespmem:v11+s11+$0x0] =	vst.idx.msk $0xffff, v10;
	v11 =	vld [tilespmem:s24+$0xFFFFFF70]  }
0x60: {  	s28 =	simm.s32 $0xC;
	[tilespmem:v21+s11+$0x0] =	vst.idx.msk $0xffff, v20;
	v8 =	vld [tilespmem:s19+$0xD0];
	v10 =	vadd.s32 s23, v5  }
0x61: {  	s26 =	simm.s32 $0xB;
	s25 =	simm.s32 $0x500;
	v13 =	vadd.s32 s22, v5;
	s24 =	simm.s32 $0x8;
	[tilespmem:v19+s11+$0x0] =	vst.idx.msk $0xffff, v18;
	v12 =	vld [tilespmem:s19+$0xFFFFFFD0]  }
.LBB2_4:
0x62: {  	p2 =	slt.u32 s28, $0x3C;
	s30 =	sadd.s32 $0x1, s24;
	v18 =	vld [tilespmem:s25+$0x80];
	v19 =	vadd.s32 s26, v0;
	[tilespmem:v17+s11+$0x0] =	vst.idx.msk $0xffff, v16  }
0x63: {  	s29 =	sadd.s32 $0x2, s24;
	v16 =	vld [tilespmem:s25+$0xFFFFFF80];
	v17 =	vadd.s32 s30, v0;
	[tilespmem:v15+s11+$0x0] =	vst.idx.msk $0xffff, v9  }
0x64: {  	v15 =	vadd.s32 s29, v0;
	v9 =	vld [tilespmem:s25+$0x0];
	[tilespmem:v14+s11+$0x0] =	vst.idx.msk $0xffff, v11  }
0x65: {  	v14 =	vadd.s32 s24, v0;
	v11 =	vld [tilespmem:s25+$0xFFFFFF00];
	[tilespmem:v10+s11+$0x0] =	vst.idx.msk $0xffff, v8  }
0x66: {  	v10 =	vadd.s32 s23, v6;
	[tilespmem:v13+s11+$0x0] =	vst.idx.msk $0xffff, v12;
	v8 =	vld [tilespmem:s19+$0xE0]  }
0x67: {  	v13 =	vadd.s32 s21, v5;
	[tilespmem:v19+s11+$0x0] =	vst.idx.msk $0xffff, v18;
	v12 =	vld [tilespmem:s19+$0x50]  }
0x68: {  	[tilespmem:v17+s11+$0x0] =	vst.idx.msk $0xffff, v16;
	v16 =	vld [tilespmem:s25+$0x90];
	v17 =	vadd.s32 s26, v1  }
0x69: {  	v19 =	vadd.s32 s30, v1;
	v18 =	vld [tilespmem:s25+$0xFFFFFF90];
	[tilespmem:v15+s11+$0x0] =	vst.idx.msk $0xffff, v9  }
0x6a: {  	[tilespmem:v14+s11+$0x0] =	vst.idx.msk $0xffff, v11;
	v9 =	vld [tilespmem:s25+$0x10];
	v11 =	vadd.s32 s29, v1  }
0x6b: {  	v15 =	vadd.s32 s24, v1;
	v14 =	vld [tilespmem:s25+$0xFFFFFF10];
	[tilespmem:v10+s11+$0x0] =	vst.idx.msk $0xffff, v8  }
0x6c: {  	v10 =	vadd.s32 s23, v7;
	s23 =	smov.u32 s26;
	[tilespmem:v13+s11+$0x0] =	vst.idx.msk $0xffff, v12;
	v8 =	vld [tilespmem:s19+$0xF0]  }
0x6d: {  	v13 =	vadd.s32 s20, v5;
	[tilespmem:v17+s11+$0x0] =	vst.idx.msk $0xffff, v16;
	v12 =	vld [tilespmem:s19+$0xFFFFFF50]  }
0x6e: {  	v17 =	vadd.s32 s23, v2;
	[tilespmem:v19+s11+$0x0] =	vst.idx.msk $0xffff, v18;
	v16 =	vld [tilespmem:s25+$0xA0]  }
0x6f: {  	v19 =	vadd.s32 s30, v2;
	v18 =	vld [tilespmem:s25+$0xFFFFFFA0];
	[tilespmem:v11+s11+$0x0] =	vst.idx.msk $0xffff, v9  }
0x70: {  	v11 =	vadd.s32 s29, v2;
	[tilespmem:v15+s11+$0x0] =	vst.idx.msk $0xffff, v14;
	v9 =	vld [tilespmem:s25+$0x20]  }
0x71: {  	v15 =	vadd.s32 s24, v2;
	v14 =	vld [tilespmem:s25+$0xFFFFFF20];
	[tilespmem:v10+s11+$0x0] =	vst.idx.msk $0xffff, v8  }
0x72: {  	v10 =	vadd.s32 s22, v6;
	[tilespmem:v13+s11+$0x0] =	vst.idx.msk $0xffff, v12;
	v8 =	vld [tilespmem:s19+$0xFFFFFFE0]  }
0x73: {  	v13 =	vadd.s32 s21, v6;
	[tilespmem:v17+s11+$0x0] =	vst.idx.msk $0xffff, v16;
	v12 =	vld [tilespmem:s19+$0x60]  }
0x74: {  	v17 =	vadd.s32 s23, v3;
	[tilespmem:v19+s11+$0x0] =	vst.idx.msk $0xffff, v18;
	v16 =	vld [tilespmem:s25+$0xB0]  }
0x75: {  	v19 =	vadd.s32 s30, v3;
	v18 =	vld [tilespmem:s25+$0xFFFFFFB0];
	[tilespmem:v11+s11+$0x0] =	vst.idx.msk $0xffff, v9  }
0x76: {  	v11 =	vadd.s32 s29, v3;
	[tilespmem:v15+s11+$0x0] =	vst.idx.msk $0xffff, v14;
	v9 =	vld [tilespmem:s25+$0x30]  }
0x77: {  	v15 =	vadd.s32 s24, v3;
	v14 =	vld [tilespmem:s25+$0xFFFFFF30];
	[tilespmem:v10+s11+$0x0] =	vst.idx.msk $0xffff, v8  }
0x78: {  	v10 =	vadd.s32 s20, v6;
	v8 =	vld [tilespmem:s19+$0xFFFFFF60];
	[tilespmem:v13+s11+$0x0] =	vst.idx.msk $0xffff, v12  }
0x79: {  	v13 =	vadd.s32 s22, v7;
	s22 =	smov.u32 s30;
	[tilespmem:v17+s11+$0x0] =	vst.idx.msk $0xffff, v16;
	v12 =	vld [tilespmem:s19+$0xFFFFFFF0]  }
0x7a: {  	[tilespmem:v19+s11+$0x0] =	vst.idx.msk $0xffff, v18;
	v18 =	vld [tilespmem:s25+$0xC0];
	v19 =	vadd.s32 s23, v4  }
0x7b: {  	v21 =	vadd.s32 s22, v4;
	v20 =	vld [tilespmem:s25+$0xFFFFFFC0];
	[tilespmem:v11+s11+$0x0] =	vst.idx.msk $0xffff, v9  }
0x7c: {  	v23 =	vadd.s32 s29, v4;
	[tilespmem:v15+s11+$0x0] =	vst.idx.msk $0xffff, v14;
	v22 =	vld [tilespmem:s25+$0x40]  }
.Ltmp5:
0x7d: {  	v17 =	vadd.s32 s24, v4;
	v16 =	vld [tilespmem:s25+$0xFFFFFF40];
	[tilespmem:v10+s11+$0x0] =	vst.idx.msk $0xffff, v8;
	(pc) =	sbr.rel @p2 .LBB2_4-.Ltmp5, $4  }
0x7e: {  	v15 =	vadd.s32 s21, v7;
	s21 =	smov.u32 s29;
	[tilespmem:v13+s11+$0x0] =	vst.idx.msk $0xffff, v12;
	v9 =	vld [tilespmem:s19+$0x70]  }
0x7f: {  	v14 =	vadd.s32 s20, v7;
	s20 =	smov.u32 s24;
	s24 =	smov.u32 s28;
	[tilespmem:v19+s11+$0x0] =	vst.idx.msk $0xffff, v18;
	v11 =	vld [tilespmem:s19+$0xFFFFFF70];
	s19 =	smov.u32 s25  }
0x80: {  	v10 =	vadd.s32 s23, v5;
	[tilespmem:v21+s11+$0x0] =	vst.idx.msk $0xffff, v20;
	v8 =	vld [tilespmem:s25+$0xD0]  }
0x81: {  	s28 =	sadd.s32 $0x4, s28;
	s26 =	sadd.s32 $0x3, s24;
	v13 =	vadd.s32 s22, v5;
	s25 =	sadd.s32 $0x200, s25;
	v12 =	vld [tilespmem:s19+$0xFFFFFFD0];
	[tilespmem:v23+s11+$0x0] =	vst.idx.msk $0xffff, v22  }
0x82: {  	v18 =	vld [tilespmem:s25+$0x80];
	v19 =	vadd.s32 s26, v0  }
0x83: {  	s28 =	sadd.s32 $0x1, s24;
	v24 =	vld [tilespmem:s25+$0xFFFFFF00];
	v25 =	vadd.s32 s24, v0  }
0x84: {  	v20 =	vld [tilespmem:s25+$0xFFFFFF80];
	s29 =	sadd.s32 $0x2, s24;
	v21 =	vadd.s32 s28, v0  }
0x85: {  	v22 =	vld [tilespmem:s25+$0x0];
	v23 =	vadd.s32 s29, v0  }
0x86: {  	[tilespmem:v17+s11+$0x0] =	vst.idx.msk $0xffff, v16  }
0x87: {  	[tilespmem:v19+s11+$0x0] =	vst.idx.msk $0xffff, v18  }
0x88: {  	v52 =	vadd.s32 s26, v1;
	[tilespmem:v25+s11+$0x0] =	vst.idx.msk $0xffff, v24;
	v51 =	vld [tilespmem:s25+$0x90]  }
0x89: {  	v58 =	vadd.s32 s24, v1;
	[tilespmem:v21+s11+$0x0] =	vst.idx.msk $0xffff, v20;
	v57 =	vld [tilespmem:s25+$0xFFFFFF10]  }
0x8a: {  	v54 =	vadd.s32 s28, v1;
	[tilespmem:v23+s11+$0x0] =	vst.idx.msk $0xffff, v22;
	v53 =	vld [tilespmem:s25+$0xFFFFFF90]  }
0x8b: {  	v56 =	vadd.s32 s29, v1;
	[tilespmem:v15+s11+$0x0] =	vst.idx.msk $0xffff, v9;
	v55 =	vld [tilespmem:s25+$0x10]  }
0x8c: {  	[tilespmem:v10+s11+$0x0] =	vst.idx.msk $0xffff, v8  }
0x8d: {  	[tilespmem:v52+s11+$0x0] =	vst.idx.msk $0xffff, v51  }
0x8e: {  	v60 =	vadd.s32 s26, v2;
	[tilespmem:v58+s11+$0x0] =	vst.idx.msk $0xffff, v57;
	v59 =	vld [tilespmem:s25+$0xA0]  }
0x8f: {  	v22 =	vadd.s32 s24, v2;
	[tilespmem:v54+s11+$0x0] =	vst.idx.msk $0xffff, v53;
	v8 =	vld [tilespmem:s25+$0xFFFFFF20]  }
0x90: {  	v62 =	vadd.s32 s28, v2;
	[tilespmem:v56+s11+$0x0] =	vst.idx.msk $0xffff, v55;
	v61 =	vld [tilespmem:s25+$0xFFFFFFA0]  }
0x91: {  	[tilespmem:v14+s11+$0x0] =	vst.idx.msk $0xffff, v11;
	v21 =	vadd.s32 s29, v2;
	v63 =	vld [tilespmem:s25+$0x20]  }
0x92: {  	v33 =	vadd.s32 s20, v5;
	v32 =	vld [tilespmem:s19+$0xFFFFFF50];
	[tilespmem:v13+s11+$0x0] =	vst.idx.msk $0xffff, v12  }
0x93: {  	v26 =	vadd.s32 s21, v5;
	v25 =	vld [tilespmem:s19+$0x50];
	[tilespmem:v60+s11+$0x0] =	vst.idx.msk $0xffff, v59  }
0x94: {  	v27 =	vadd.s32 s26, v3;
	[tilespmem:v22+s11+$0x0] =	vst.idx.msk $0xffff, v8;
	v11 =	vld [tilespmem:s25+$0xB0]  }
0x95: {  	v30 =	vadd.s32 s24, v3;
	[tilespmem:v62+s11+$0x0] =	vst.idx.msk $0xffff, v61;
	v10 =	vld [tilespmem:s25+$0xFFFFFF30]  }
0x96: {  	v28 =	vadd.s32 s28, v3;
	[tilespmem:v21+s11+$0x0] =	vst.idx.msk $0xffff, v63;
	v16 =	vld [tilespmem:s25+$0xFFFFFFB0]  }
0x97: {  	v29 =	vadd.s32 s29, v3;
	[tilespmem:v33+s11+$0x0] =	vst.idx.msk $0xffff, v32;
	v8 =	vld [tilespmem:s25+$0x30]  }
0x98: {  	v39 =	vadd.s32 s22, v6;
	v38 =	vld [tilespmem:s19+$0xFFFFFFE0];
	[tilespmem:v26+s11+$0x0] =	vst.idx.msk $0xffff, v25  }
0x99: {  	v24 =	vadd.s32 s23, v6;
	v23 =	vld [tilespmem:s19+$0xE0];
	[tilespmem:v27+s11+$0x0] =	vst.idx.msk $0xffff, v11  }
0x9a: {  	v34 =	vadd.s32 s26, v4;
	[tilespmem:v30+s11+$0x0] =	vst.idx.msk $0xffff, v10;
	v11 =	vld [tilespmem:s25+$0xC0]  }
0x9b: {  	v37 =	vadd.s32 s24, v4;
	[tilespmem:v28+s11+$0x0] =	vst.idx.msk $0xffff, v16;
	v10 =	vld [tilespmem:s25+$0xFFFFFF40]  }
0x9c: {  	v35 =	vadd.s32 s28, v4;
	[tilespmem:v29+s11+$0x0] =	vst.idx.msk $0xffff, v8;
	v16 =	vld [tilespmem:s25+$0xFFFFFFC0]  }
0x9d: {  	v36 =	vadd.s32 s29, v4;
	[tilespmem:v39+s11+$0x0] =	vst.idx.msk $0xffff, v38;
	v8 =	vld [tilespmem:s25+$0x40]  }
0x9e: {  	v47 =	vadd.s32 s20, v6;
	v46 =	vld [tilespmem:s19+$0xFFFFFF60];
	[tilespmem:v24+s11+$0x0] =	vst.idx.msk $0xffff, v23  }
0x9f: {  	v41 =	vadd.s32 s21, v6;
	v40 =	vld [tilespmem:s19+$0x60];
	[tilespmem:v34+s11+$0x0] =	vst.idx.msk $0xffff, v11  }
0xa0: {  	v42 =	vadd.s32 s26, v5;
	[tilespmem:v37+s11+$0x0] =	vst.idx.msk $0xffff, v10;
	v11 =	vld [tilespmem:s25+$0xD0]  }
0xa1: {  	v45 =	vadd.s32 s24, v5;
	[tilespmem:v35+s11+$0x0] =	vst.idx.msk $0xffff, v16;
	v10 =	vld [tilespmem:s25+$0xFFFFFF50]  }
0xa2: {  	v43 =	vadd.s32 s28, v5;
	[tilespmem:v36+s11+$0x0] =	vst.idx.msk $0xffff, v8;
	v16 =	vld [tilespmem:s25+$0xFFFFFFD0]  }
0xa3: {  	v44 =	vadd.s32 s29, v5;
	[tilespmem:v47+s11+$0x0] =	vst.idx.msk $0xffff, v46;
	v8 =	vld [tilespmem:s25+$0x50]  }
0xa4: {  	v49 =	vadd.s32 s22, v7;
	v48 =	vld [tilespmem:s19+$0xFFFFFFF0];
	[tilespmem:v41+s11+$0x0] =	vst.idx.msk $0xffff, v40  }
0xa5: {  	v31 =	vadd.s32 s23, v7;
	v13 =	vld [tilespmem:s19+$0xF0];
	[tilespmem:v42+s11+$0x0] =	vst.idx.msk $0xffff, v11  }
0xa6: {  	v50 =	vadd.s32 s26, v6;
	[tilespmem:v45+s11+$0x0] =	vst.idx.msk $0xffff, v10;
	v11 =	vld [tilespmem:s25+$0xE0]  }
0xa7: {  	v55 =	vadd.s32 s24, v6;
	[tilespmem:v43+s11+$0x0] =	vst.idx.msk $0xffff, v16;
	v54 =	vld [tilespmem:s25+$0xFFFFFF60]  }
0xa8: {  	v51 =	vadd.s32 s28, v6;
	[tilespmem:v44+s11+$0x0] =	vst.idx.msk $0xffff, v8;
	v8 =	vld [tilespmem:s25+$0xFFFFFFE0]  }
0xa9: {  	v53 =	vadd.s32 s29, v6;
	[tilespmem:v49+s11+$0x0] =	vst.idx.msk $0xffff, v48;
	v52 =	vld [tilespmem:s25+$0x60]  }
0xaa: {  	v57 =	vadd.s32 s21, v7;
	[tilespmem:v31+s11+$0x0] =	vst.idx.msk $0xffff, v13;
	v56 =	vld [tilespmem:s19+$0x70]  }
0xab: {  	v58 =	vld [tilespmem:s19+$0xFFFFFF70];
	v59 =	vadd.s32 s20, v7;
	[tilespmem:v50+s11+$0x0] =	vst.idx.msk $0xffff, v11  }
0xac: {  	v60 =	vadd.s32 s26, v7;
	[tilespmem:v55+s11+$0x0] =	vst.idx.msk $0xffff, v54;
	v11 =	vld [tilespmem:s25+$0xF0]  }
0xad: {  	v63 =	vadd.s32 s24, v7;
	[tilespmem:v51+s11+$0x0] =	vst.idx.msk $0xffff, v8;
	v13 =	vld [tilespmem:s25+$0xFFFFFF70]  }
0xae: {  	v61 =	vadd.s32 s28, v7;
	[tilespmem:v53+s11+$0x0] =	vst.idx.msk $0xffff, v52;
	v8 =	vld [tilespmem:s25+$0xFFFFFFF0]  }
0xaf: {  	v62 =	vadd.s32 s29, v7;
	[tilespmem:v57+s11+$0x0] =	vst.idx.msk $0xffff, v56;
	v10 =	vld [tilespmem:s25+$0x70]  }
0xb0: {  	[tilespmem:v59+s11+$0x0] =	vst.idx.msk $0xffff, v58  }
0xb1: {  	[tilespmem:v60+s11+$0x0] =	vst.idx.msk $0xffff, v11  }
0xb2: {  	s31 =	smul.u32 $0x500, s17;
	[tilespmem:v63+s11+$0x0] =	vst.idx.msk $0xffff, v13  }
0xb3: {  	[tilespmem:v61+s11+$0x0] =	vst.idx.msk $0xffff, v8  }
0xb4: {  	s19 =	sadd.s32 s5, s31;
	[tilespmem:v62+s11+$0x0] =	vst.idx.msk $0xffff, v10  }
0xb5: {  	[hbm4b:s19+s3] =	stream.linear.scatter [tilespmem:s11], [sflag:$0x4], $0x2800, $0x38;
	[tilespmem:$0x6800] =	vst v63  }
0xb6: {  	_ =	swait.ge [sflag:s12], $0x2800  }
0xb7: {  	[sflag:s12] =	ssyncset.done $0x0  }
0xb8: {  	[sflag:s12] =	ssyncadd.s32 $0xFFFFD800  }
.LBB2_6:
0xb9: {  	p2 =	sgt.u32 s17, $0x1E84  }
0xba: {  	p1 =	por p2, !p1  }
.Ltmp6:
0xbb: {  	_ = 	snop;
	(pc) =	sbr.rel @p1 .LBB2_10-.Ltmp6, $1  }
0xbc: {  	_ =	sdelay $0x3  }
0xbd: {  	s18 =	sadd.s32 @!p0 s2, s18  }
0xbe: {  	s19 =	simm.s32 @!p0 $0x400;
	s20 =	simm.s32 @!p0 $0x7A1400;
	s21 =	simm.s32 @!p0 $0x0  }
0xbf: {  	[tilespmem:s21], [sflag:$0x1] =	stream.strided.gather @!p0 [hbm4b:s18+s19], $0x2000, s20, s19, $0x38;
	[tilespmem:$0x6800] =	vst v63  }
0xc0: {  	_ =	swait.ge [sflag:s13], $0x2000  }
0xc1: {  	[sflag:s13] =	ssyncset.done $0x0  }
0xc2: {  	s23 =	simm.s32 $0x2100;
	s28 =	simm.s32 $0x3;
	[sflag:s13] =	ssyncadd.s32 $0xFFFFE000  }
0xc3: {  	s25 =	simm.s32 $0x2;
	v9 =	vadd.s32 s28, v0;
	v8 =	vld [tilespmem:s23+$0x80]  }
0xc4: {  	s26 =	simm.s32 $0x1;
	v13 =	vadd.s32 s25, v0;
	v12 =	vld [tilespmem:s23+$0x0]  }
0xc5: {  	v11 =	vadd.s32 s26, v0;
	v10 =	vld [tilespmem:s23+$0xFFFFFF80];
	_ =	sdelay $0x1  }
0xc6: {  	s24 =	simm.s32 $0x0  }
0xc7: {  	v15 =	vadd.s32 s24, v0;
	v14 =	vld [tilespmem:s23+$0xFFFFFF00];
	[tilespmem:v9+s11+$0x0] =	vst.idx.msk $0xffff, v8  }
0xc8: {  	v9 =	vadd.s32 s28, v1;
	[tilespmem:v13+s11+$0x0] =	vst.idx.msk $0xffff, v12;
	v8 =	vld [tilespmem:s23+$0x90]  }
0xc9: {  	[tilespmem:v11+s11+$0x0] =	vst.idx.msk $0xffff, v10;
	v13 =	vadd.s32 s25, v1;
	v12 =	vld [tilespmem:s23+$0x10]  }
0xca: {  	v11 =	vadd.s32 s26, v1;
	v10 =	vld [tilespmem:s23+$0xFFFFFF90];
	_ =	sdelay $0x1  }
0xcb: {  	[tilespmem:v15+s11+$0x0] =	vst.idx.msk $0xffff, v14  }
0xcc: {  	v15 =	vadd.s32 s24, v1;
	v14 =	vld [tilespmem:s23+$0xFFFFFF10];
	[tilespmem:v9+s11+$0x0] =	vst.idx.msk $0xffff, v8  }
0xcd: {  	v9 =	vadd.s32 s28, v2;
	[tilespmem:v13+s11+$0x0] =	vst.idx.msk $0xffff, v12;
	v8 =	vld [tilespmem:s23+$0xA0]  }
0xce: {  	[tilespmem:v11+s11+$0x0] =	vst.idx.msk $0xffff, v10;
	v13 =	vadd.s32 s25, v2;
	v12 =	vld [tilespmem:s23+$0x20]  }
0xcf: {  	v11 =	vadd.s32 s26, v2;
	v10 =	vld [tilespmem:s23+$0xFFFFFFA0];
	_ =	sdelay $0x1  }
0xd0: {  	[tilespmem:v15+s11+$0x0] =	vst.idx.msk $0xffff, v14  }
0xd1: {  	v15 =	vadd.s32 s24, v2;
	v14 =	vld [tilespmem:s23+$0xFFFFFF20];
	[tilespmem:v9+s11+$0x0] =	vst.idx.msk $0xffff, v8  }
0xd2: {  	v9 =	vadd.s32 s28, v3;
	[tilespmem:v13+s11+$0x0] =	vst.idx.msk $0xffff, v12;
	v8 =	vld [tilespmem:s23+$0xB0]  }
0xd3: {  	[tilespmem:v11+s11+$0x0] =	vst.idx.msk $0xffff, v10;
	v13 =	vadd.s32 s25, v3;
	v12 =	vld [tilespmem:s23+$0x30]  }
0xd4: {  	v11 =	vadd.s32 s26, v3;
	v10 =	vld [tilespmem:s23+$0xFFFFFFB0];
	_ =	sdelay $0x1  }
0xd5: {  	[tilespmem:v15+s11+$0x0] =	vst.idx.msk $0xffff, v14  }
0xd6: {  	v15 =	vadd.s32 s24, v3;
	v14 =	vld [tilespmem:s23+$0xFFFFFF30];
	[tilespmem:v9+s11+$0x0] =	vst.idx.msk $0xffff, v8  }
0xd7: {  	v9 =	vadd.s32 s28, v4;
	[tilespmem:v13+s11+$0x0] =	vst.idx.msk $0xffff, v12;
	v8 =	vld [tilespmem:s23+$0xC0]  }
0xd8: {  	[tilespmem:v11+s11+$0x0] =	vst.idx.msk $0xffff, v10;
	v13 =	vadd.s32 s25, v4;
	v12 =	vld [tilespmem:s23+$0x40]  }
0xd9: {  	v11 =	vadd.s32 s26, v4;
	v10 =	vld [tilespmem:s23+$0xFFFFFFC0]  }
0xda: {  	s22 =	simm.s32 $0x7;
	s18 =	simm.s32 $0x2300  }
0xdb: {  	v17 =	vadd.s32 s22, v0;
	v16 =	vld [tilespmem:s18+$0x80];
	[tilespmem:v15+s11+$0x0] =	vst.idx.msk $0xffff, v14  }
0xdc: {  	s21 =	simm.s32 $0x5;
	v15 =	vadd.s32 s24, v4;
	v14 =	vld [tilespmem:s23+$0xFFFFFF40];
	[tilespmem:v9+s11+$0x0] =	vst.idx.msk $0xffff, v8  }
0xdd: {  	[tilespmem:v13+s11+$0x0] =	vst.idx.msk $0xffff, v12;
	v12 =	vld [tilespmem:s18+$0xFFFFFF80];
	v13 =	vadd.s32 s21, v0  }
0xde: {  	[tilespmem:v11+s11+$0x0] =	vst.idx.msk $0xffff, v10;
	v9 =	vadd.s32 s28, v5;
	v8 =	vld [tilespmem:s23+$0xD0]  }
0xdf: {  	v11 =	vadd.s32 s26, v5;
	v10 =	vld [tilespmem:s23+$0xFFFFFFD0]  }
0xe0: {  	s20 =	simm.s32 $0x6;
	[tilespmem:v17+s11+$0x0] =	vst.idx.msk $0xffff, v16  }
0xe1: {  	s19 =	simm.s32 $0x4;
	[tilespmem:v15+s11+$0x0] =	vst.idx.msk $0xffff, v14;
	v14 =	vld [tilespmem:s18+$0x0];
	v15 =	vadd.s32 s20, v0  }
0xe2: {  	v19 =	vadd.s32 s19, v0;
	v18 =	vld [tilespmem:s18+$0xFFFFFF00];
	[tilespmem:v13+s11+$0x0] =	vst.idx.msk $0xffff, v12  }
0xe3: {  	v12 =	vld [tilespmem:s18+$0x90];
	v13 =	vadd.s32 s22, v1;
	[tilespmem:v9+s11+$0x0] =	vst.idx.msk $0xffff, v8  }
0xe4: {  	[tilespmem:v11+s11+$0x0] =	vst.idx.msk $0xffff, v10;
	v10 =	vld [tilespmem:s23+$0x50];
	v11 =	vadd.s32 s25, v5  }
0xe5: {  	v9 =	vadd.s32 s28, v6;
	v8 =	vld [tilespmem:s23+$0xE0]  }
0xe6: {  	v17 =	vadd.s32 s21, v1;
	[tilespmem:v15+s11+$0x0] =	vst.idx.msk $0xffff, v14;
	v16 =	vld [tilespmem:s18+$0xFFFFFF90]  }
0xe7: {  	[tilespmem:v19+s11+$0x0] =	vst.idx.msk $0xffff, v18;
	v15 =	vadd.s32 s20, v1;
	v14 =	vld [tilespmem:s18+$0x10]  }
0xe8: {  	v19 =	vadd.s32 s19, v1;
	v18 =	vld [tilespmem:s18+$0xFFFFFF10];
	[tilespmem:v13+s11+$0x0] =	vst.idx.msk $0xffff, v12  }
0xe9: {  	v13 =	vadd.s32 s22, v2;
	[tilespmem:v11+s11+$0x0] =	vst.idx.msk $0xffff, v10;
	v12 =	vld [tilespmem:s18+$0xA0]  }
0xea: {  	v10 =	vld [tilespmem:s23+$0xFFFFFF50];
	v11 =	vadd.s32 s24, v5;
	[tilespmem:v9+s11+$0x0] =	vst.idx.msk $0xffff, v8  }
0xeb: {  	[tilespmem:v17+s11+$0x0] =	vst.idx.msk $0xffff, v16;
	v9 =	vadd.s32 s28, v7;
	v8 =	vld [tilespmem:s23+$0xF0]  }
0xec: {  	v17 =	vadd.s32 s21, v2;
	[tilespmem:v15+s11+$0x0] =	vst.idx.msk $0xffff, v14;
	v16 =	vld [tilespmem:s18+$0xFFFFFFA0]  }
0xed: {  	[tilespmem:v19+s11+$0x0] =	vst.idx.msk $0xffff, v18;
	v15 =	vadd.s32 s20, v2;
	v14 =	vld [tilespmem:s18+$0x20]  }
0xee: {  	v19 =	vadd.s32 s19, v2;
	v18 =	vld [tilespmem:s18+$0xFFFFFF20];
	[tilespmem:v13+s11+$0x0] =	vst.idx.msk $0xffff, v12  }
0xef: {  	[tilespmem:v11+s11+$0x0] =	vst.idx.msk $0xffff, v10;
	v13 =	vadd.s32 s22, v3;
	v12 =	vld [tilespmem:s18+$0xB0]  }
0xf0: {  	[tilespmem:v9+s11+$0x0] =	vst.idx.msk $0xffff, v8;
	v8 =	vld [tilespmem:s23+$0xFFFFFFE0];
	v9 =	vadd.s32 s26, v6  }
0xf1: {  	v10 =	vld [tilespmem:s23+$0x60];
	v11 =	vadd.s32 s25, v6;
	[tilespmem:v17+s11+$0x0] =	vst.idx.msk $0xffff, v16  }
0xf2: {  	v17 =	vadd.s32 s21, v3;
	[tilespmem:v15+s11+$0x0] =	vst.idx.msk $0xffff, v14;
	v16 =	vld [tilespmem:s18+$0xFFFFFFB0]  }
0xf3: {  	[tilespmem:v19+s11+$0x0] =	vst.idx.msk $0xffff, v18;
	v15 =	vadd.s32 s20, v3;
	v14 =	vld [tilespmem:s18+$0x30]  }
0xf4: {  	v19 =	vadd.s32 s19, v3;
	v18 =	vld [tilespmem:s18+$0xFFFFFF30];
	[tilespmem:v13+s11+$0x0] =	vst.idx.msk $0xffff, v12  }
0xf5: {  	[tilespmem:v9+s11+$0x0] =	vst.idx.msk $0xffff, v8;
	v8 =	vld [tilespmem:s23+$0xFFFFFF60];
	v9 =	vadd.s32 s24, v6  }
0xf6: {  	[tilespmem:v11+s11+$0x0] =	vst.idx.msk $0xffff, v10;
	v13 =	vadd.s32 s22, v4;
	v12 =	vld [tilespmem:s18+$0xC0]  }
0xf7: {  	v11 =	vadd.s32 s26, v7;
	[tilespmem:v17+s11+$0x0] =	vst.idx.msk $0xffff, v16;
	v10 =	vld [tilespmem:s23+$0xFFFFFFF0]  }
0xf8: {  	v21 =	vadd.s32 s21, v4;
	[tilespmem:v15+s11+$0x0] =	vst.idx.msk $0xffff, v14;
	v20 =	vld [tilespmem:s18+$0xFFFFFFC0]  }
0xf9: {  	[tilespmem:v19+s11+$0x0] =	vst.idx.msk $0xffff, v18;
	v19 =	vadd.s32 s20, v4;
	v18 =	vld [tilespmem:s18+$0x40]  }
0xfa: {  	v16 =	vld [tilespmem:s18+$0xFFFFFF40];
	v17 =	vadd.s32 s19, v4;
	[tilespmem:v9+s11+$0x0] =	vst.idx.msk $0xffff, v8  }
0xfb: {  	v15 =	vadd.s32 s25, v7;
	v9 =	vld [tilespmem:s23+$0x70];
	[tilespmem:v13+s11+$0x0] =	vst.idx.msk $0xffff, v12  }
0xfc: {  	v14 =	vadd.s32 s24, v7;
	[tilespmem:v11+s11+$0x0] =	vst.idx.msk $0xffff, v10;
	v11 =	vld [tilespmem:s23+$0xFFFFFF70]  }
0xfd: {  	s26 =	simm.s32 $0xC;
	[tilespmem:v21+s11+$0x0] =	vst.idx.msk $0xffff, v20;
	v8 =	vld [tilespmem:s18+$0xD0];
	v10 =	vadd.s32 s22, v5  }
0xfe: {  	s25 =	simm.s32 $0xB;
	s24 =	simm.s32 $0x2500;
	v13 =	vadd.s32 s21, v5;
	s23 =	simm.s32 $0x8;
	[tilespmem:v19+s11+$0x0] =	vst.idx.msk $0xffff, v18;
	v12 =	vld [tilespmem:s18+$0xFFFFFFD0]  }
.LBB2_8:
0xff: {  	p0 =	slt.u32 s26, $0x3C;
	s29 =	sadd.s32 $0x1, s23;
	v18 =	vld [tilespmem:s24+$0x80];
	v19 =	vadd.s32 s25, v0;
	[tilespmem:v17+s11+$0x0] =	vst.idx.msk $0xffff, v16  }
0x100: {  	s28 =	sadd.s32 $0x2, s23;
	v16 =	vld [tilespmem:s24+$0xFFFFFF80];
	v17 =	vadd.s32 s29, v0;
	[tilespmem:v15+s11+$0x0] =	vst.idx.msk $0xffff, v9  }
0x101: {  	v15 =	vadd.s32 s28, v0;
	v9 =	vld [tilespmem:s24+$0x0];
	[tilespmem:v14+s11+$0x0] =	vst.idx.msk $0xffff, v11  }
0x102: {  	v14 =	vadd.s32 s23, v0;
	v11 =	vld [tilespmem:s24+$0xFFFFFF00];
	[tilespmem:v10+s11+$0x0] =	vst.idx.msk $0xffff, v8  }
0x103: {  	v10 =	vadd.s32 s22, v6;
	[tilespmem:v13+s11+$0x0] =	vst.idx.msk $0xffff, v12;
	v8 =	vld [tilespmem:s18+$0xE0]  }
0x104: {  	v13 =	vadd.s32 s20, v5;
	[tilespmem:v19+s11+$0x0] =	vst.idx.msk $0xffff, v18;
	v12 =	vld [tilespmem:s18+$0x50]  }
0x105: {  	[tilespmem:v17+s11+$0x0] =	vst.idx.msk $0xffff, v16;
	v16 =	vld [tilespmem:s24+$0x90];
	v17 =	vadd.s32 s25, v1  }
0x106: {  	v19 =	vadd.s32 s29, v1;
	v18 =	vld [tilespmem:s24+$0xFFFFFF90];
	[tilespmem:v15+s11+$0x0] =	vst.idx.msk $0xffff, v9  }
0x107: {  	[tilespmem:v14+s11+$0x0] =	vst.idx.msk $0xffff, v11;
	v9 =	vld [tilespmem:s24+$0x10];
	v11 =	vadd.s32 s28, v1  }
0x108: {  	v15 =	vadd.s32 s23, v1;
	v14 =	vld [tilespmem:s24+$0xFFFFFF10];
	[tilespmem:v10+s11+$0x0] =	vst.idx.msk $0xffff, v8  }
0x109: {  	v10 =	vadd.s32 s22, v7;
	s22 =	smov.u32 s25;
	[tilespmem:v13+s11+$0x0] =	vst.idx.msk $0xffff, v12;
	v8 =	vld [tilespmem:s18+$0xF0]  }
0x10a: {  	v13 =	vadd.s32 s19, v5;
	[tilespmem:v17+s11+$0x0] =	vst.idx.msk $0xffff, v16;
	v12 =	vld [tilespmem:s18+$0xFFFFFF50]  }
0x10b: {  	v17 =	vadd.s32 s22, v2;
	[tilespmem:v19+s11+$0x0] =	vst.idx.msk $0xffff, v18;
	v16 =	vld [tilespmem:s24+$0xA0]  }
0x10c: {  	v19 =	vadd.s32 s29, v2;
	v18 =	vld [tilespmem:s24+$0xFFFFFFA0];
	[tilespmem:v11+s11+$0x0] =	vst.idx.msk $0xffff, v9  }
0x10d: {  	v11 =	vadd.s32 s28, v2;
	[tilespmem:v15+s11+$0x0] =	vst.idx.msk $0xffff, v14;
	v9 =	vld [tilespmem:s24+$0x20]  }
0x10e: {  	v15 =	vadd.s32 s23, v2;
	v14 =	vld [tilespmem:s24+$0xFFFFFF20];
	[tilespmem:v10+s11+$0x0] =	vst.idx.msk $0xffff, v8  }
0x10f: {  	v10 =	vadd.s32 s21, v6;
	[tilespmem:v13+s11+$0x0] =	vst.idx.msk $0xffff, v12;
	v8 =	vld [tilespmem:s18+$0xFFFFFFE0]  }
0x110: {  	v13 =	vadd.s32 s20, v6;
	[tilespmem:v17+s11+$0x0] =	vst.idx.msk $0xffff, v16;
	v12 =	vld [tilespmem:s18+$0x60]  }
0x111: {  	v17 =	vadd.s32 s22, v3;
	[tilespmem:v19+s11+$0x0] =	vst.idx.msk $0xffff, v18;
	v16 =	vld [tilespmem:s24+$0xB0]  }
0x112: {  	v19 =	vadd.s32 s29, v3;
	v18 =	vld [tilespmem:s24+$0xFFFFFFB0];
	[tilespmem:v11+s11+$0x0] =	vst.idx.msk $0xffff, v9  }
0x113: {  	v11 =	vadd.s32 s28, v3;
	[tilespmem:v15+s11+$0x0] =	vst.idx.msk $0xffff, v14;
	v9 =	vld [tilespmem:s24+$0x30]  }
0x114: {  	v15 =	vadd.s32 s23, v3;
	v14 =	vld [tilespmem:s24+$0xFFFFFF30];
	[tilespmem:v10+s11+$0x0] =	vst.idx.msk $0xffff, v8  }
0x115: {  	v10 =	vadd.s32 s19, v6;
	v8 =	vld [tilespmem:s18+$0xFFFFFF60];
	[tilespmem:v13+s11+$0x0] =	vst.idx.msk $0xffff, v12  }
0x116: {  	v13 =	vadd.s32 s21, v7;
	s21 =	smov.u32 s29;
	[tilespmem:v17+s11+$0x0] =	vst.idx.msk $0xffff, v16;
	v12 =	vld [tilespmem:s18+$0xFFFFFFF0]  }
0x117: {  	[tilespmem:v19+s11+$0x0] =	vst.idx.msk $0xffff, v18;
	v18 =	vld [tilespmem:s24+$0xC0];
	v19 =	vadd.s32 s22, v4  }
0x118: {  	v21 =	vadd.s32 s21, v4;
	v20 =	vld [tilespmem:s24+$0xFFFFFFC0];
	[tilespmem:v11+s11+$0x0] =	vst.idx.msk $0xffff, v9  }
0x119: {  	v23 =	vadd.s32 s28, v4;
	[tilespmem:v15+s11+$0x0] =	vst.idx.msk $0xffff, v14;
	v22 =	vld [tilespmem:s24+$0x40]  }
.Ltmp7:
0x11a: {  	v17 =	vadd.s32 s23, v4;
	v16 =	vld [tilespmem:s24+$0xFFFFFF40];
	[tilespmem:v10+s11+$0x0] =	vst.idx.msk $0xffff, v8;
	(pc) =	sbr.rel @p0 .LBB2_8-.Ltmp7, $4  }
0x11b: {  	v15 =	vadd.s32 s20, v7;
	s20 =	smov.u32 s28;
	[tilespmem:v13+s11+$0x0] =	vst.idx.msk $0xffff, v12;
	v9 =	vld [tilespmem:s18+$0x70]  }
0x11c: {  	v14 =	vadd.s32 s19, v7;
	s19 =	smov.u32 s23;
	s23 =	smov.u32 s26;
	[tilespmem:v19+s11+$0x0] =	vst.idx.msk $0xffff, v18;
	v11 =	vld [tilespmem:s18+$0xFFFFFF70];
	s18 =	smov.u32 s24  }
0x11d: {  	v10 =	vadd.s32 s22, v5;
	[tilespmem:v21+s11+$0x0] =	vst.idx.msk $0xffff, v20;
	v8 =	vld [tilespmem:s24+$0xD0]  }
0x11e: {  	s26 =	sadd.s32 $0x4, s26;
	s25 =	sadd.s32 $0x3, s23;
	v13 =	vadd.s32 s21, v5;
	s24 =	sadd.s32 $0x200, s24;
	v12 =	vld [tilespmem:s18+$0xFFFFFFD0];
	[tilespmem:v23+s11+$0x0] =	vst.idx.msk $0xffff, v22  }
0x11f: {  	v18 =	vld [tilespmem:s24+$0x80];
	v19 =	vadd.s32 s25, v0  }
0x120: {  	s26 =	sadd.s32 $0x1, s23;
	v24 =	vld [tilespmem:s24+$0xFFFFFF00];
	v25 =	vadd.s32 s23, v0  }
0x121: {  	v20 =	vld [tilespmem:s24+$0xFFFFFF80];
	s28 =	sadd.s32 $0x2, s23;
	v21 =	vadd.s32 s26, v0  }
0x122: {  	v22 =	vld [tilespmem:s24+$0x0];
	v23 =	vadd.s32 s28, v0  }
0x123: {  	[tilespmem:v17+s11+$0x0] =	vst.idx.msk $0xffff, v16  }
0x124: {  	[tilespmem:v19+s11+$0x0] =	vst.idx.msk $0xffff, v18  }
0x125: {  	v52 =	vadd.s32 s25, v1;
	[tilespmem:v25+s11+$0x0] =	vst.idx.msk $0xffff, v24;
	v51 =	vld [tilespmem:s24+$0x90]  }
0x126: {  	v58 =	vadd.s32 s23, v1;
	[tilespmem:v21+s11+$0x0] =	vst.idx.msk $0xffff, v20;
	v57 =	vld [tilespmem:s24+$0xFFFFFF10]  }
0x127: {  	v54 =	vadd.s32 s26, v1;
	[tilespmem:v23+s11+$0x0] =	vst.idx.msk $0xffff, v22;
	v53 =	vld [tilespmem:s24+$0xFFFFFF90]  }
0x128: {  	v56 =	vadd.s32 s28, v1;
	[tilespmem:v15+s11+$0x0] =	vst.idx.msk $0xffff, v9;
	v55 =	vld [tilespmem:s24+$0x10]  }
0x129: {  	[tilespmem:v10+s11+$0x0] =	vst.idx.msk $0xffff, v8  }
0x12a: {  	[tilespmem:v52+s11+$0x0] =	vst.idx.msk $0xffff, v51  }
0x12b: {  	v60 =	vadd.s32 s25, v2;
	[tilespmem:v58+s11+$0x0] =	vst.idx.msk $0xffff, v57;
	v59 =	vld [tilespmem:s24+$0xA0]  }
0x12c: {  	v22 =	vadd.s32 s23, v2;
	[tilespmem:v54+s11+$0x0] =	vst.idx.msk $0xffff, v53;
	v8 =	vld [tilespmem:s24+$0xFFFFFF20]  }
0x12d: {  	v62 =	vadd.s32 s26, v2;
	[tilespmem:v56+s11+$0x0] =	vst.idx.msk $0xffff, v55;
	v61 =	vld [tilespmem:s24+$0xFFFFFFA0]  }
0x12e: {  	[tilespmem:v14+s11+$0x0] =	vst.idx.msk $0xffff, v11;
	v21 =	vadd.s32 s28, v2;
	v63 =	vld [tilespmem:s24+$0x20]  }
0x12f: {  	v33 =	vadd.s32 s19, v5;
	v32 =	vld [tilespmem:s18+$0xFFFFFF50];
	[tilespmem:v13+s11+$0x0] =	vst.idx.msk $0xffff, v12  }
0x130: {  	v26 =	vadd.s32 s20, v5;
	v25 =	vld [tilespmem:s18+$0x50];
	[tilespmem:v60+s11+$0x0] =	vst.idx.msk $0xffff, v59  }
0x131: {  	v27 =	vadd.s32 s25, v3;
	[tilespmem:v22+s11+$0x0] =	vst.idx.msk $0xffff, v8;
	v11 =	vld [tilespmem:s24+$0xB0]  }
0x132: {  	v30 =	vadd.s32 s23, v3;
	[tilespmem:v62+s11+$0x0] =	vst.idx.msk $0xffff, v61;
	v10 =	vld [tilespmem:s24+$0xFFFFFF30]  }
0x133: {  	v28 =	vadd.s32 s26, v3;
	[tilespmem:v21+s11+$0x0] =	vst.idx.msk $0xffff, v63;
	v16 =	vld [tilespmem:s24+$0xFFFFFFB0]  }
0x134: {  	v29 =	vadd.s32 s28, v3;
	[tilespmem:v33+s11+$0x0] =	vst.idx.msk $0xffff, v32;
	v8 =	vld [tilespmem:s24+$0x30]  }
0x135: {  	v39 =	vadd.s32 s21, v6;
	v38 =	vld [tilespmem:s18+$0xFFFFFFE0];
	[tilespmem:v26+s11+$0x0] =	vst.idx.msk $0xffff, v25  }
0x136: {  	v24 =	vadd.s32 s22, v6;
	v23 =	vld [tilespmem:s18+$0xE0];
	[tilespmem:v27+s11+$0x0] =	vst.idx.msk $0xffff, v11  }
0x137: {  	v34 =	vadd.s32 s25, v4;
	[tilespmem:v30+s11+$0x0] =	vst.idx.msk $0xffff, v10;
	v11 =	vld [tilespmem:s24+$0xC0]  }
0x138: {  	v37 =	vadd.s32 s23, v4;
	[tilespmem:v28+s11+$0x0] =	vst.idx.msk $0xffff, v16;
	v10 =	vld [tilespmem:s24+$0xFFFFFF40]  }
0x139: {  	v35 =	vadd.s32 s26, v4;
	[tilespmem:v29+s11+$0x0] =	vst.idx.msk $0xffff, v8;
	v16 =	vld [tilespmem:s24+$0xFFFFFFC0]  }
0x13a: {  	v36 =	vadd.s32 s28, v4;
	[tilespmem:v39+s11+$0x0] =	vst.idx.msk $0xffff, v38;
	v8 =	vld [tilespmem:s24+$0x40]  }
0x13b: {  	v47 =	vadd.s32 s19, v6;
	v46 =	vld [tilespmem:s18+$0xFFFFFF60];
	[tilespmem:v24+s11+$0x0] =	vst.idx.msk $0xffff, v23  }
0x13c: {  	v41 =	vadd.s32 s20, v6;
	v40 =	vld [tilespmem:s18+$0x60];
	[tilespmem:v34+s11+$0x0] =	vst.idx.msk $0xffff, v11  }
0x13d: {  	v42 =	vadd.s32 s25, v5;
	[tilespmem:v37+s11+$0x0] =	vst.idx.msk $0xffff, v10;
	v11 =	vld [tilespmem:s24+$0xD0]  }
0x13e: {  	v45 =	vadd.s32 s23, v5;
	[tilespmem:v35+s11+$0x0] =	vst.idx.msk $0xffff, v16;
	v10 =	vld [tilespmem:s24+$0xFFFFFF50]  }
0x13f: {  	v43 =	vadd.s32 s26, v5;
	[tilespmem:v36+s11+$0x0] =	vst.idx.msk $0xffff, v8;
	v16 =	vld [tilespmem:s24+$0xFFFFFFD0]  }
0x140: {  	v44 =	vadd.s32 s28, v5;
	[tilespmem:v47+s11+$0x0] =	vst.idx.msk $0xffff, v46;
	v8 =	vld [tilespmem:s24+$0x50]  }
0x141: {  	v49 =	vadd.s32 s21, v7;
	v48 =	vld [tilespmem:s18+$0xFFFFFFF0];
	[tilespmem:v41+s11+$0x0] =	vst.idx.msk $0xffff, v40  }
0x142: {  	v31 =	vadd.s32 s22, v7;
	v13 =	vld [tilespmem:s18+$0xF0];
	[tilespmem:v42+s11+$0x0] =	vst.idx.msk $0xffff, v11  }
0x143: {  	v50 =	vadd.s32 s25, v6;
	[tilespmem:v45+s11+$0x0] =	vst.idx.msk $0xffff, v10;
	v11 =	vld [tilespmem:s24+$0xE0]  }
0x144: {  	v55 =	vadd.s32 s23, v6;
	[tilespmem:v43+s11+$0x0] =	vst.idx.msk $0xffff, v16;
	v54 =	vld [tilespmem:s24+$0xFFFFFF60]  }
0x145: {  	v51 =	vadd.s32 s26, v6;
	[tilespmem:v44+s11+$0x0] =	vst.idx.msk $0xffff, v8;
	v8 =	vld [tilespmem:s24+$0xFFFFFFE0]  }
0x146: {  	v53 =	vadd.s32 s28, v6;
	[tilespmem:v49+s11+$0x0] =	vst.idx.msk $0xffff, v48;
	v52 =	vld [tilespmem:s24+$0x60]  }
0x147: {  	v57 =	vadd.s32 s20, v7;
	[tilespmem:v31+s11+$0x0] =	vst.idx.msk $0xffff, v13;
	v56 =	vld [tilespmem:s18+$0x70]  }
0x148: {  	v58 =	vld [tilespmem:s18+$0xFFFFFF70];
	v59 =	vadd.s32 s19, v7;
	[tilespmem:v50+s11+$0x0] =	vst.idx.msk $0xffff, v11  }
0x149: {  	v60 =	vadd.s32 s25, v7;
	[tilespmem:v55+s11+$0x0] =	vst.idx.msk $0xffff, v54;
	v11 =	vld [tilespmem:s24+$0xF0]  }
0x14a: {  	v63 =	vadd.s32 s23, v7;
	[tilespmem:v51+s11+$0x0] =	vst.idx.msk $0xffff, v8;
	v13 =	vld [tilespmem:s24+$0xFFFFFF70]  }
0x14b: {  	v61 =	vadd.s32 s26, v7;
	[tilespmem:v53+s11+$0x0] =	vst.idx.msk $0xffff, v52;
	v8 =	vld [tilespmem:s24+$0xFFFFFFF0]  }
0x14c: {  	v62 =	vadd.s32 s28, v7;
	[tilespmem:v57+s11+$0x0] =	vst.idx.msk $0xffff, v56;
	v10 =	vld [tilespmem:s24+$0x70]  }
0x14d: {  	[tilespmem:v59+s11+$0x0] =	vst.idx.msk $0xffff, v58  }
0x14e: {  	[tilespmem:v60+s11+$0x0] =	vst.idx.msk $0xffff, v11  }
0x14f: {  	s17 =	smul.u32 $0x500, s17;
	[tilespmem:v63+s11+$0x0] =	vst.idx.msk $0xffff, v13  }
0x150: {  	[tilespmem:v61+s11+$0x0] =	vst.idx.msk $0xffff, v8  }
.Ltmp8:
0x151: {  	s17 =	sadd.s32 s5, s17;
	[tilespmem:v62+s11+$0x0] =	vst.idx.msk $0xffff, v10;
	(pc) =	sbr.rel .LBB2_10-.Ltmp8, $4  }
0x152: {  	[hbm4b:s17+s3] =	stream.linear.scatter [tilespmem:s11], [sflag:$0x3], $0x2800, $0x38;
	[tilespmem:$0x6800] =	vst v63  }
0x153: {  	_ =	swait.ge [sflag:s14], $0x2800  }
0x154: {  	[sflag:s14] =	ssyncset.done $0x0  }
0x155: {  	[sflag:s14] =	ssyncadd.s32 $0xFFFFD800  }
.LBB2_12:
0x156: {  	_ =	sfence.sel $0x180000  }
0x157: {  	[bflag:$0x0] =	sbarrier.arrive $0xFFFF  }
0x158: {  	p0 =	sne.s32 s1, $0x0;
	_ =	strace $0x90000047  }
0x159: {  	s0 =	sadd.s32 @!p0 $0x100000, s0;
	[bflag:$0x2] =	sbarrier.arrive $0xFFFF  }
0x15a: {  	[sflag:s0] =	ssyncadd.tile.s32 @!p0 $0x1;
	_ =	shalt  }
.Lfunc_end2:
_tile_overlayer_lowered:
.L_overlay_start_2:
0x15b: {  	(tag) =	ssettag $0x2  }
0x15c: {  	s0 =	rddreg [dreg:$0x0];
	s2 =	stileid.u32  }
0x15d: {  	s1 =	rddreg [dreg:$0x1];
	p0 =	sne.s32 s2, $0x0  }
0x15e: {  	s3 =	rddreg [dreg:$0x2];
	[bflag:$0x3] =	sbarrier.arrive $0xFFFF;
	s2 =	simm.s32 @!p0 $0x1C03  }
0x15f: {  	[timem:s3], [sflag:s2] =	dma.local @!p0 [hbm:s0], s1  }
0x160: {  	s0 =	simm.s32 @!p0 $0x3  }
0x161: {  	_ =	swait.ge @!p0 [sflag:s0], s1  }
0x162: {  	s1 =	ssub.s32 @!p0 $0x0, s1;
	[sflag:s0] =	ssyncset.done @!p0 $0x0  }
0x163: {  	[sflag:s0] =	ssyncadd.s32 @!p0 s1  }
0x164: {  	[bflag:$0x3] =	sbarrier.arrive $0xFFFF  }
0x165: {  	_ =	shalt  }

// kernel: kernel.7.cloned.1.call-start
scs
__scs_entry_jumppad:
0x0: {  	(pc) =	sbr.rel $0x88, $3  }
0x1: {  	(tag) =	ssettag $0x0;
	lr =	simm.s32 $0x1  }
0x2: {  	[smem:$0x3F9E] =	sst lr;
	_ =	strace $0xD0000000  }
0x3: {  	_ = 	snop  }
0x4: {  	_ = 	snop  }
0x5: {  	_ = 	snop  }
0x6: {  	_ = 	snop  }
0x7: {  	_ = 	snop  }
__scs_overlays_trampoline_lowered:
0x8: {  	[smem:$0x3FAD] =	sst s0  }
0x9: {  	[smem:$0x3FAE] =	sst s1  }
0xa: {  	[smem:$0x3FAF] =	sst s2  }
0xb: {  	[smem:$0x3FB0] =	sst s3  }
0xc: {  	[smem:$0x3FB1] =	sst s4  }
0xd: {  	[smem:$0x3FB2] =	sst s5  }
0xe: {  	[smem:$0x3FB3] =	sst s6  }
0xf: {  	[smem:$0x3FB4] =	sst s7  }
0x10: {  	[smem:$0x3FB5] =	sst s8  }
0x11: {  	[smem:$0x3FB6] =	sst s9;
	s0 =	simm.s32 @!p0 $0x0  }
0x12: {  	s1 =	sld [smem:$0x3F9C];
	s0 =	simm.s32 @p0 $0x1  }
0x13: {  	[smem:$0x3FB7] =	sst s0;
	s0 =	simm.s32 @!p1 $0x0  }
0x14: {  	s2 =	sld [smem:$0x3F9B];
	s0 =	simm.s32 @p1 $0x1  }
0x15: {  	[smem:$0x3FB8] =	sst s0;
	s0 =	simm.s32 @!p2 $0x0  }
0x16: {  	s3 =	sld [smem:$0x3FDB];
	s0 =	simm.s32 @p2 $0x1  }
0x17: {  	s4 =	simm.s32 $0x1BF5;
	[smem:$0x3FBA] =	sst s0  }
0x18: {  	s0 =	sld [smem:$0x3F9D];
	_ =	swait.ge [sflag:s4], $0x0  }
0x19: {  	s7 =	sld [smem:$0x3F9E]  }
0x1a: {  	s8 =	sadd.s32 $0xFFFFE003, lr  }
0x1b: {  	s9 =	sadd.s32 $0xFFFFFEF7, lr;
	s5 =	simm.s32 $0xFFFFFFFF;
	p2 =	slt.u32 s8, $0xFFFFF086  }
0x1c: {  	p1 =	slt.u32 s9, $0xF7A;
	s5 =	simm.s32 @!p2 $0x0  }
0x1d: {  	s5 =	simm.s32 @p1 $0x1;
	p0 =	seq.s32 s7, s2  }
0x1e: {  	s7 =	smul.u32 @!p0 $0xF7A, s2;
	p2 =	seq.s32 @!p0 s5, $0x0  }
0x1f: {  	s9 =	smul.u32 $0xF7A, s1;
	s8 =	simm.s32 @!p0 $0x1BF5;
	p2 =	por !p2, p0  }
0x20: {  	[sflag:s8] =	ssyncset.s32 @!p0 $0xFFFFF086;
	s6 =	sadd.s32 @!p0 s3, s7;
	s7 =	simm.s32 @!p0 $0x108  }
0x21: {  	s3 =	sadd.s32 s3, s9;
	s6 =	sadd.s32 @!p0 $0x88, s6;
	s7 =	simm.s32 @p2 $0x1082  }
0x22: {  	[simem:s7], [sflag:s8] =	dma.local @!p0 [hbm:s6], $0xF7A  }
0x23: {  	s9 =	sor.u32 $0xD0000000, s2;
	s6 =	simm.s32 $0x108;
	_ =	swait.ge @!p0 [sflag:s8], $0x0  }
0x24: {  	s3 =	sadd.s32 $0x88, s3;
	s6 =	simm.s32 @!p1 $0x1082;
	[sflag:s4] =	ssyncset.s32 $0xFFFFF086  }
0x25: {  	[simem:s6], [sflag:s4] =	dma.local [hbm:s3], $0xF7A  }
0x26: {  	[smem:$0x3F9E] =	sst s1;
	(tag) =	ssettag s2;
	_ =	strace s9  }
0x27: {  	s1 =	sld [smem:$0x3FAE]  }
0x28: {  	s2 =	sld [smem:$0x3FAF]  }
0x29: {  	s4 =	sld [smem:$0x3FB1]  }
0x2a: {  	p0 =	seq.s32 s5, $0x0;
	s5 =	sld [smem:$0x3FB2]  }
0x2b: {  	s6 =	sld [smem:$0x3FB3]  }
0x2c: {  	s7 =	sld [smem:$0x3FB4]  }
0x2d: {  	s3 =	simm.s32 $0x108;
	s8 =	sld [smem:$0x3FB5]  }
0x2e: {  	s3 =	simm.s32 @!p0 $0x1082;
	s9 =	sld [smem:$0x3FB6]  }
0x2f: {  	lr =	sadd.s32 s0, s3;
	s0 =	sld [smem:$0x3FAD]  }
0x30: {  	s3 =	sld [smem:$0x3FB0]  }
0x31: {  	[smem:$0x3FB9] =	sst s10  }
0x32: {  	s10 =	sld [smem:$0x3FB7];
	_ =	sdelay $0x3  }
0x33: {  	p0 =	seq.s32 s10, $0x1;
	s10 =	sld [smem:$0x3FB9];
	_ =	sdelay $0x3  }
0x34: {  	[smem:$0x3FB9] =	sst s10  }
0x35: {  	s10 =	sld [smem:$0x3FB8];
	_ =	sdelay $0x3  }
0x36: {  	p1 =	seq.s32 s10, $0x1;
	s10 =	sld [smem:$0x3FB9];
	_ =	sdelay $0x3  }
0x37: {  	[smem:$0x3FB9] =	sst s10  }
0x38: {  	s10 =	sld [smem:$0x3FBA]  }
0x39: {  	_ = 	snop;
	(pc) =	sbr.ind lr, $3  }
0x3a: {  	_ = 	snop  }
0x3b: {  	_ = 	snop  }
0x3c: {  	p2 =	seq.s32 s10, $0x1;
	s10 =	sld [smem:$0x3FB9]  }
0x3d: {  	_ =	shalt  }
0x3e: {  	_ =	shalt  }
0x3f: {  	_ =	shalt  }
0x40: {  	_ =	shalt  }
0x41: {  	_ =	shalt  }
0x42: {  	_ =	shalt  }
0x43: {  	_ =	shalt  }
0x44: {  	_ =	shalt  }
0x45: {  	_ =	shalt  }
0x46: {  	_ =	shalt  }
0x47: {  	_ =	shalt  }
0x48: {  	_ =	shalt  }
0x49: {  	_ =	shalt  }
0x4a: {  	_ =	shalt  }
0x4b: {  	_ =	shalt  }
0x4c: {  	_ =	shalt  }
0x4d: {  	_ =	shalt  }
0x4e: {  	_ =	shalt  }
0x4f: {  	_ =	shalt  }
0x50: {  	_ =	shalt  }
0x51: {  	_ =	shalt  }
0x52: {  	_ =	shalt  }
0x53: {  	_ =	shalt  }
0x54: {  	_ =	shalt  }
0x55: {  	_ =	shalt  }
0x56: {  	_ =	shalt  }
0x57: {  	_ =	shalt  }
0x58: {  	_ =	shalt  }
0x59: {  	_ =	shalt  }
0x5a: {  	_ =	shalt  }
0x5b: {  	_ =	shalt  }
0x5c: {  	_ =	shalt  }
0x5d: {  	_ =	shalt  }
0x5e: {  	_ =	shalt  }
0x5f: {  	_ =	shalt  }
0x60: {  	_ =	shalt  }
0x61: {  	_ =	shalt  }
0x62: {  	_ =	shalt  }
0x63: {  	_ =	shalt  }
0x64: {  	_ =	shalt  }
0x65: {  	_ =	shalt  }
0x66: {  	_ =	shalt  }
0x67: {  	_ =	shalt  }
0x68: {  	_ =	shalt  }
0x69: {  	_ =	shalt  }
0x6a: {  	_ =	shalt  }
0x6b: {  	_ =	shalt  }
0x6c: {  	_ =	shalt  }
0x6d: {  	_ =	shalt  }
0x6e: {  	_ =	shalt  }
0x6f: {  	_ =	shalt  }
0x70: {  	_ =	shalt  }
0x71: {  	_ =	shalt  }
0x72: {  	_ =	shalt  }
0x73: {  	_ =	shalt  }
0x74: {  	_ =	shalt  }
0x75: {  	_ =	shalt  }
0x76: {  	_ =	shalt  }
0x77: {  	_ =	shalt  }
0x78: {  	_ =	shalt  }
0x79: {  	_ =	shalt  }
0x7a: {  	_ =	shalt  }
0x7b: {  	_ =	shalt  }
0x7c: {  	_ =	shalt  }
0x7d: {  	_ =	shalt  }
0x7e: {  	_ =	shalt  }
0x7f: {  	_ =	shalt  }
0x80: {  	_ =	shalt  }
0x81: {  	_ =	shalt  }
0x82: {  	_ =	shalt  }
0x83: {  	_ =	shalt  }
0x84: {  	_ =	shalt  }
0x85: {  	_ =	shalt  }
0x86: {  	_ =	shalt  }
0x87: {  	_ =	shalt  }
.Lfunc_end0:
.L_simem_size_0:
called_computation.1_lowered:
.L_overlay_start_0:
0x88: {  	s2 =	sld [smem:$0x3FD9]  }
0x89: {  	s3 =	sld [smem:$0x3FFE];
	_ =	sdelay $0x1  }
0x8a: {  	s1 =	srdreg.scid  }
0x8b: {  	s0 =	sand.u32 $0x1, s1  }
0x8c: {  	s17 =	sshll.u32 s0, $0xA;
	s2 =	sadd.s32 s3, s2  }
0x8d: {  	s2 =	sadd.s32 s2, s17  }
0x8e: {  	[smem:$0x3FC5] =	sst s2  }
0x8f: {  	_ = 	snop  }
0x90: {  	s2 =	sld [smem:$0x3FD0];
	(tm) =	ssettm $0x1  }
0x91: {  	s18 =	sld [smem:$0x3FFB];
	_ =	sdelay $0x3  }
0x92: {  	_ =	strace s18  }
0x93: {  	s3 =	sld [smem:$0x3FFC];
	_ =	sdelay $0x3  }
0x94: {  	_ =	strace s3  }
0x95: {  	s3 =	sld [smem:$0x3FFD];
	_ =	sdelay $0x3  }
0x96: {  	_ =	strace s3  }
0x97: {  	_ =	strace $0x8FFFFFFF  }
0x98: {  	s19 =	sld [smem:$0x3FDB];
	_ =	sdelay $0x1  }
0x99: {  	s4 =	simm.s32 $_scs_section_size  }
0x9a: {  	s5 =	simm.s32 $_size__tile_overlayer_lowered;
	s6 =	simm.s32 $_tile_overlayer_lowered  }
0x9b: {  	s22 =	simm.s32 $0x1BFF;
	s21 =	sshll.u32 s6, $0x1;
	s3 =	sadd.s32 s4, s19  }
0x9c: {  	s7 =	simm.s32 $0x0;
	s20 =	sshll.u32 s5, $0x1;
	s5 =	sadd.s32 s21, s3  }
0x9d: {  	[timem:s7], [sflag:s22] =	dma.local [hbm:s5], s20  }
0x9e: {  	_ =	swait.ge [sflag:s22], s20  }
0x9f: {  	s4 =	ssub.s32 $0x0, s20;
	[sflag:s22] =	ssyncset.done $0x0  }
0xa0: {  	[sflag:s22] =	ssyncadd.s32 s4;
	_ =	sdelay $0x1  }
0xa1: {  	s23 =	simm.s32 $0x1B8B  }
0xa2: {  	_ =	swait.ge [sflag:s23], $0x1  }
0xa3: {  	[sflag:s23] =	ssyncset.done $0x0  }
0xa4: {  	s25 =	simm.s32 $0x1B8E;
	s24 =	sld [smem:$0x3FFE];
	[sflag:s23] =	ssyncadd.s32 $0xFFFFFFFF  }
0xa5: {  	s26 =	simm.s32 $execute0_lowered;
	[smem:$0x3FD2] =	sst s25  }
0xa6: {  	s5 =	sshll.u32 s26, $0x1;
	_ =	strace $0x80000049;
	[dreg:$0x1] =	wrdreg $0xFFFFFFFF  }
0xa7: {  	s28 =	simm.s32 $_size_execute0_lowered;
	s3 =	sadd.s32 s3, s5;
	[dreg:$0x0] =	wrdreg $0x0  }
0xa8: {  	s5 =	sshll.u32 s28, $0x1;
	[dreg:$0x2] =	wrdreg s3  }
0xa9: {  	[dreg:$0x3] =	wrdreg s5  }
0xaa: {  	[dreg:$0x4] =	wrdreg $0xC0  }
0xab: {  	_ =	task [dreg:s7], $0x5FFFF  }
0xac: {  	[dreg:$0x1] =	wrdreg $0xFFFFFFFF  }
0xad: {  	[dreg:$0x0] =	wrdreg $0x60  }
0xae: {  	[dreg:$0x2] =	wrdreg s24  }
0xaf: {  	[dreg:$0x3] =	wrdreg s2  }
0xb0: {  	[dreg:$0x4] =	wrdreg $0x9  }
0xb1: {  	_ =	task.clear_ibuf [dreg:s7], $0x5FFFF;
	_ =	strace $0x90000049  }
0xb2: {  	s29 =	simm.s32 $0x9;
	_ =	strace $0x8000004B  }
0xb3: {  	_ =	swait.ge [sflag:s29], $0x1  }
0xb4: {  	[sflag:s29] =	ssyncadd.s32 $0xFFFFFFFF  }
0xb5: {  	_ =	strace $0x9000004B  }
0xb6: {  	_ =	sfence  }
0xb7: {  	s30 =	sld [smem:$0x0];
	_ =	sdelay $0x2  }
0xb8: {  	s31 =	sshll.u32 s1, $0xD;
	s1 =	sshrl.u32 s1, $0x2  }
0xb9: {  	s3 =	sand.u32 $0x4000, s31;
	s1 =	sadd.s32 s1, s30  }
0xba: {  	s0 =	sor.u32 s3, s0;
	s1 =	sshll.u32 s1, $0x11  }
0xbb: {  	s0 =	sor.u32 s1, s0  }
0xbc: {  	s0 =	sadd.s32 $0x8F2B, s0  }
0xbd: {  	[sflag:s0] =	ssyncadd.remote.s32 $0x1  }
0xbe: {  	_ =	sfence.sel $0xFFFF  }
0xbf: {  	[dreg:$0x0] =	wrdreg $0xFFFFFFFF;
	(pc) =	sbr.abs _section_cstart, $3  }
0xc0: {  	[dreg:$0x1] =	wrdreg $0xFFFFFFFF  }
0xc1: {  	_ =	task.clear_ibuf [dreg:s7], $0x2FFFF;
	_ =	strace $0x9FFFFFFF  }
0xc2: {  	(tm) =	ssettm $0x7FFFFFFF  }
0xc3: {  	_ =	shalt  }
tec
execute0_lowered:
.L_overlay_start_1:
0x0: {  	(tag) =	ssettag $0x1  }
0x1: {  	s5 =	rddreg [dreg:$0x0]  }
0x2: {  	s2 =	rddreg [dreg:$0x1]  }
0x3: {  	s0 =	rddreg [dreg:$0x2];
	s4 =	srdreg.scid  }
0x4: {  	s1 =	stileid.u32;
	s3 =	simm.s32 $0x0;
	s10 =	simm.s32 $0x1000  }
0x5: {  	s11 =	simm.s32 $0x5;
	s12 =	simm.s32 $0xB400;
	s13 =	simm.s32 $0x6400  }
0x6: {  	s14 =	simm.s32 $0x8C00;
	s15 =	simm.s32 $0x1;
	s16 =	simm.s32 $0xE600  }
0x7: {  	s17 =	simm.s32 $0x2;
	s18 =	simm.s32 $0x10800;
	s19 =	simm.s32 $0x3  }
0x8: {  	s20 =	simm.s32 $0x4;
	s4 =	sand.u32 $0x1, s4;
	s6 =	sshll.u32 s1, $0x1  }
0x9: {  	s21 =	simm.s32 $0x0;
	[smem:$0x7FF] =	sst s3;
	s7 =	sor.u32 s4, s6  }
0xa: {  	v0 =	vlaneseq.u32;
	_ =	strace $0x8000004A;
	s8 =	ssub.s32 $0x2, s4;
	s4 =	sadd.s32 $0xC00, s5  }
0xb: {  	v0 =	vmul.u32 $0x88, v0;
	s6 =	sshll.u32 s7, $0x4;
	s9 =	sshrl.u32 s8, $0x1;
	s7 =	sshll.u32 s7, $0xA  }
0xc: {  	s6 =	sadd.s32 s6, s5;
	s5 =	sadd.s32 $0x98A600, s5;
	s8 =	ssub.s32 s8, s9  }
0xd: {  	v1 =	vadd.s32 $0x880, v0;
	v2 =	vadd.s32 $0x1100, v0;
	v3 =	vadd.s32 $0x1980, v0;
	s9 =	simm.s32 $0x80;
	s6 =	sadd.s32 $0x98AE00, s6;
	s8 =	smax.u32 s8, $0x1  }
.LBB2_1:
0xe: {  	[tilespmem:s3], [sflag:$0x5] =	stream.strided.gather [hbm4b:s6+s9], $0x6400, s10, s9, $0x38;
	[tilespmem:$0x12A00] =	vst v63  }
0xf: {  	_ =	swait.ge [sflag:s11], $0x6400  }
0x10: {  	[sflag:s11] =	ssyncset.done $0x0  }
0x11: {  	[sflag:s11] =	ssyncadd.s32 $0xFFFF9C00  }
0x12: {  	[tilespmem:s12], [sflag:$0x5] =	stream.linear.gather [hbm4b:s5+s3], $0x3200, $0x38;
	[tilespmem:$0x12A00] =	vst v63  }
0x13: {  	_ =	swait.ge [sflag:s11], $0x3200  }
0x14: {  	[sflag:s11] =	ssyncset.done $0x0  }
0x15: {  	s22 =	simm.s32 $0x0;
	[sflag:s11] =	ssyncadd.s32 $0xFFFFCE00  }
0x16: {  	[tilespmem:s13], [sflag:$0x1] =	stream.indirect.gather [hbm4b:s4+s9], $0x50, s3, s9, $0xb8;
	[tilespmem:$0x12A00] =	vst v63  }
.LBB2_2:
0x17: {  	p0 =	seq.s32 s22, $0x0  }
0x18: {  	s24 =	simm.s32 @!p0 $0x4  }
0x19: {  	s23 =	sshllo.u32 s22, $0x1;
	_ =	swait.ge @!p0 [sflag:s24], $0x2000  }
0x1a: {  	s25 =	sshll.u32 s23, $0x7;
	[sflag:s24] =	ssyncset.done @!p0 $0x0  }
0x1b: {  	s25 =	sand.u32 $0x3FFFFF80, s25;
	[sflag:s24] =	ssyncadd.s32 @!p0 $0xFFFFE000  }
0x1c: {  	[tilespmem:s14], [sflag:$0x2] =	stream.indirect.gather [hbm4b:s4+s9], $0x50, s25, s9, $0xb8;
	[tilespmem:$0x12A00] =	vst v63  }
0x1d: {  	_ =	swait.ge [sflag:s15], $0x2800  }
0x1e: {  	s26 =	sshll.u32 s22, $0x7;
	[sflag:s15] =	ssyncset.done $0x0  }
0x1f: {  	s24 =	sand.u32 $0x3FFFFF80, s26;
	[sflag:s15] =	ssyncadd.s32 $0xFFFFD800  }
0x20: {  	s28 =	simm.s32 $0x64A0;
	s29 =	simm.s32 $0x3;
	v9 =	vld [tilespmem:s24+$0xB400]  }
0x21: {  	v4 =	vmov s29;
	v7 =	vld [tilespmem:s28+$0x50]  }
0x22: {  	s30 =	simm.s32 $0x0;
	v13 =	vand.u32 $0x7F, v4  }
0x23: {  	v4 =	vmov s30;
	v8 =	vadd.s32 v0, v13;
	v6 =	vld [tilespmem:s24+$0xB410]  }
0x24: {  	s31 =	simm.s32 $0x1;
	v12 =	vand.u32 $0x7C, v4;
	v10 =	vld [tilespmem:s28+$0xFFFFFF60]  }
0x25: {  	v4 =	vmov s31;
	s26 =	simm.s32 $0x2;
	v15 =	vadd.s32 v0, v12;
	v11 =	vld [tilespmem:s28+$0xFFFFFFB0]  }
0x26: {  	v19 =	vand.u32 $0x7D, v4;
	v14 =	vmov s26;
	v16 =	vld [tilespmem:s28+$0x0];
	v7 =	vadd.f32 v7, v9  }
0x27: {  	v17 =	vadd.s32 v0, v19;
	v20 =	vand.u32 $0x7E, v14;
	v5 =	vld [tilespmem:s24+$0xB420]  }
0x28: {  	v14 =	vadd.s32 v0, v20;
	v4 =	vld [tilespmem:s24+$0xB430];
	[tilespmem:v8+s16+$0x0] =	vst.idx.msk $0xffff, v7  }
0x29: {  	v7 =	vadd.f32 v10, v9;
	v8 =	vld [tilespmem:s28+$0x60]  }
0x2a: {  	v10 =	vadd.f32 v11, v9  }
0x2b: {  	v11 =	vadd.s32 v1, v13;
	[tilespmem:v15+s16+$0x0] =	vst.idx.msk $0xffff, v7;
	v7 =	vadd.f32 v16, v9  }
0x2c: {  	[tilespmem:v17+s16+$0x0] =	vst.idx.msk $0xffff, v10;
	v15 =	vld [tilespmem:s28+$0xFFFFFF70]  }
0x2d: {  	v10 =	vld [tilespmem:s28+$0xFFFFFFC0];
	[tilespmem:v14+s16+$0x0] =	vst.idx.msk $0xffff, v7  }
0x2e: {  	v14 =	vld [tilespmem:s28+$0x10];
	v7 =	vadd.f32 v8, v6  }
0x2f: {  	s29 =	simm.s32 $0x7;
	s24 =	simm.s32 $0x65E0;
	v16 =	vadd.s32 v1, v19  }
0x30: {  	v26 =	vadd.s32 v2, v13;
	s26 =	simm.s32 $0x4;
	v18 =	vld [tilespmem:s24+$0x50];
	v17 =	vadd.s32 v1, v20;
	[tilespmem:v11+s16+$0x0] =	vst.idx.msk $0xffff, v7;
	v7 =	vmov s29  }
0x31: {  	v21 =	vadd.s32 v1, v12;
	v8 =	vmov s26;
	v7 =	vand.u32 $0x7F, v7;
	v22 =	vld [tilespmem:s28+$0x70]  }
0x32: {  	s30 =	simm.s32 $0x5;
	v23 =	vld [tilespmem:s24+$0xFFFFFF60];
	v8 =	vand.u32 $0x7C, v8;
	v10 =	vadd.f32 v10, v6;
	v24 =	vadd.s32 v0, v7  }
0x33: {  	s31 =	simm.s32 $0x6;
	v25 =	vld [tilespmem:s24+$0xFFFFFFB0];
	v15 =	vadd.f32 v15, v6;
	v11 =	vadd.f32 v14, v6;
	v14 =	vmov s30  }
0x34: {  	v27 =	vadd.s32 v0, v8;
	[tilespmem:v16+s16+$0x0] =	vst.idx.msk $0xffff, v10;
	v16 =	vmov s31;
	v10 =	vand.u32 $0x7D, v14;
	v14 =	vld [tilespmem:s24+$0x0]  }
0x35: {  	[tilespmem:v17+s16+$0x0] =	vst.idx.msk $0xffff, v11;
	v17 =	vadd.s32 v0, v10;
	v11 =	vand.u32 $0x7E, v16;
	v16 =	vadd.f32 v18, v9;
	v18 =	vld [tilespmem:s28+$0xFFFFFFD0]  }
0x36: {  	[tilespmem:v21+s16+$0x0] =	vst.idx.msk $0xffff, v15;
	v15 =	vadd.s32 v0, v11;
	v21 =	vld [tilespmem:s28+$0x20];
	v22 =	vadd.f32 v22, v5  }
0x37: {  	v23 =	vadd.f32 v23, v9;
	[tilespmem:v24+s16+$0x0] =	vst.idx.msk $0xffff, v16;
	v16 =	vld [tilespmem:s28+$0xFFFFFF80];
	v24 =	vadd.s32 v2, v19  }
0x38: {  	v29 =	vadd.s32 v2, v20;
	v25 =	vadd.f32 v25, v9;
	v28 =	vld [tilespmem:s24+$0x60];
	[tilespmem:v26+s16+$0x0] =	vst.idx.msk $0xffff, v22  }
0x39: {  	[tilespmem:v27+s16+$0x0] =	vst.idx.msk $0xffff, v23;
	v23 =	vadd.s32 v2, v12;
	v14 =	vadd.f32 v14, v9;
	v26 =	vld [tilespmem:s28+$0x80]  }
0x3a: {  	v27 =	vld [tilespmem:s24+$0xFFFFFF70];
	[tilespmem:v17+s16+$0x0] =	vst.idx.msk $0xffff, v25;
	v25 =	vadd.s32 v1, v7;
	v18 =	vadd.f32 v18, v5  }
0x3b: {  	v31 =	vadd.s32 v3, v13;
	v30 =	vld [tilespmem:s24+$0xFFFFFFC0];
	[tilespmem:v15+s16+$0x0] =	vst.idx.msk $0xffff, v14;
	v14 =	vadd.f32 v21, v5  }
0x3c: {  	v22 =	vadd.s32 v1, v8;
	v17 =	vld [tilespmem:s24+$0x10];
	v13 =	vadd.f32 v16, v5;
	[tilespmem:v24+s16+$0x0] =	vst.idx.msk $0xffff, v18  }
0x3d: {  	s26 =	simm.s32 $0x8;
	v21 =	vadd.s32 v1, v10;
	[tilespmem:v29+s16+$0x0] =	vst.idx.msk $0xffff, v14;
	v18 =	vadd.f32 v28, v6;
	v16 =	vld [tilespmem:s28+$0xFFFFFFE0]  }
0x3e: {  	v24 =	vmov s26;
	v14 =	vadd.s32 v1, v11;
	v15 =	vld [tilespmem:s28+$0x30];
	[tilespmem:v23+s16+$0x0] =	vst.idx.msk $0xffff, v13;
	v63 =	vadd.f32 v26, v4  }
0x3f: {  	s25 =	simm.s32 $0x6720;
	s29 =	simm.s32 $0xB;
	v19 =	vadd.s32 v3, v19;
	v13 =	vand.u32 $0x7C, v24;
	v24 =	vadd.f32 v27, v6;
	[tilespmem:v25+s16+$0x0] =	vst.idx.msk $0xffff, v18;
	v18 =	vld [tilespmem:s28+$0xFFFFFF90]  }
0x40: {  	v20 =	vadd.s32 v3, v20;
	v26 =	vmov s29;
	v23 =	vld [tilespmem:s25+$0x50];
	s28 =	simm.s32 $0xC;
	v25 =	vadd.f32 v30, v6;
	[tilespmem:v31+s16+$0x0] =	vst.idx.msk $0xffff, v63  }
.LBB2_3:
0x41: {  	p0 =	slt.u32 s28, $0x7C;
	s29 =	sadd.s32 $0x1, s26;
	v26 =	vand.u32 $0x7F, v26;
	[tilespmem:v22+s16+$0x0] =	vst.idx.msk $0xffff, v24;
	v17 =	vadd.f32 v17, v6;
	v22 =	vld [tilespmem:s24+$0x70];
	v24 =	vadd.s32 v3, v12  }
0x42: {  	v30 =	vmovc v11;
	v27 =	vld [tilespmem:s25+$0xFFFFFF60];
	v28 =	vmov s29;
	s29 =	sadd.s32 $0x2, s26;
	v29 =	vadd.s32 v0, v26;
	[tilespmem:v21+s16+$0x0] =	vst.idx.msk $0xffff, v25;
	v16 =	vadd.f32 v16, v4;
	s26 =	smov.u32 s28  }
0x43: {  	v12 =	vmovc v8;
	v21 =	vld [tilespmem:s25+$0xFFFFFFB0];
	v11 =	vmov s29;
	[tilespmem:v14+s16+$0x0] =	vst.idx.msk $0xffff, v17;
	v14 =	vadd.s32 v2, v7;
	v15 =	vadd.f32 v15, v4  }
0x44: {  	v17 =	vadd.s32 v0, v13;
	v28 =	vand.u32 $0x7D, v28;
	v25 =	vld [tilespmem:s25+$0x0];
	v31 =	vadd.f32 v18, v4;
	[tilespmem:v19+s16+$0x0] =	vst.idx.msk $0xffff, v16  }
0x45: {  	v16 =	vadd.s32 v0, v28;
	v11 =	vand.u32 $0x7E, v11;
	v18 =	vadd.f32 v23, v9;
	v19 =	vld [tilespmem:s24+$0xFFFFFFD0];
	[tilespmem:v20+s16+$0x0] =	vst.idx.msk $0xffff, v15  }
0x46: {  	v8 =	vmov v13;
	v15 =	vadd.s32 v0, v11;
	v20 =	vld [tilespmem:s24+$0x20];
	v22 =	vadd.f32 v22, v5;
	[tilespmem:v24+s16+$0x0] =	vst.idx.msk $0xffff, v31  }
0x47: {  	v23 =	vadd.s32 v2, v10;
	v13 =	vadd.f32 v27, v9;
	[tilespmem:v29+s16+$0x0] =	vst.idx.msk $0xffff, v18;
	v18 =	vld [tilespmem:s24+$0xFFFFFF80]  }
0x48: {  	v27 =	vadd.s32 v2, v30;
	v21 =	vadd.f32 v21, v9;
	v24 =	vld [tilespmem:s25+$0x60];
	[tilespmem:v14+s16+$0x0] =	vst.idx.msk $0xffff, v22  }
0x49: {  	[tilespmem:v17+s16+$0x0] =	vst.idx.msk $0xffff, v13;
	v13 =	vadd.f32 v25, v9;
	v25 =	vadd.s32 v2, v12;
	v29 =	vld [tilespmem:s24+$0x80]  }
0x4a: {  	v32 =	vadd.s32 v1, v26;
	v31 =	vld [tilespmem:s25+$0xFFFFFF70];
	[tilespmem:v16+s16+$0x0] =	vst.idx.msk $0xffff, v21;
	v14 =	vadd.f32 v19, v5  }
0x4b: {  	v34 =	vadd.s32 v3, v7;
	v7 =	vmov v26;
	v33 =	vld [tilespmem:s25+$0xFFFFFFC0];
	[tilespmem:v15+s16+$0x0] =	vst.idx.msk $0xffff, v13;
	v13 =	vadd.f32 v20, v5  }
.Ltmp0:
0x4c: {  	v22 =	vadd.s32 v1, v8;
	v17 =	vld [tilespmem:s25+$0x10];
	v15 =	vadd.f32 v18, v5;
	[tilespmem:v23+s16+$0x0] =	vst.idx.msk $0xffff, v14;
	(pc) =	sbr.rel @p0 .LBB2_3-.Ltmp0, $4  }
0x4d: {  	v21 =	vadd.s32 v1, v28;
	v18 =	vadd.f32 v24, v6;
	v16 =	vld [tilespmem:s24+$0xFFFFFFE0];
	[tilespmem:v27+s16+$0x0] =	vst.idx.msk $0xffff, v13  }
0x4e: {  	v14 =	vadd.s32 v1, v11;
	v13 =	vmov s28;
	[tilespmem:v25+s16+$0x0] =	vst.idx.msk $0xffff, v15;
	v15 =	vld [tilespmem:s24+$0x30];
	v27 =	vadd.f32 v29, v4  }
0x4f: {  	s29 =	sadd.s32 $0x3, s28;
	v19 =	vadd.s32 v3, v10;
	v13 =	vand.u32 $0x7C, v13;
	v24 =	vadd.f32 v31, v6;
	[tilespmem:v32+s16+$0x0] =	vst.idx.msk $0xffff, v18;
	v18 =	vld [tilespmem:s24+$0xFFFFFF90];
	s24 =	smov.u32 s25;
	s25 =	sadd.s32 $0x140, s25  }
0x50: {  	v26 =	vmov s29;
	v10 =	vmovc v28;
	v20 =	vadd.s32 v3, v30;
	s28 =	sadd.s32 $0x4, s28;
	v23 =	vld [tilespmem:s25+$0x50];
	v25 =	vadd.f32 v33, v6;
	[tilespmem:v34+s16+$0x0] =	vst.idx.msk $0xffff, v27  }
0x51: {  	s28 =	sadd.s32 $0x1, s26  }
0x52: {  	v26 =	vand.u32 $0x7F, v26;
	s31 =	sadd.s32 $0x2, s26;
	v28 =	vld [tilespmem:s25+$0xFFFFFFB0];
	v27 =	vmov s28  }
0x53: {  	v31 =	vld [tilespmem:s25+$0x0];
	v29 =	vadd.s32 v0, v26;
	v30 =	vmov s31;
	v27 =	vand.u32 $0x7D, v27  }
0x54: {  	v32 =	vld [tilespmem:s25+$0xFFFFFF60];
	v30 =	vand.u32 $0x7E, v30;
	v33 =	vadd.s32 v0, v27  }
0x55: {  	v34 =	vadd.s32 v0, v30  }
0x56: {  	[tilespmem:v22+s16+$0x0] =	vst.idx.msk $0xffff, v24;
	v44 =	vadd.s32 v0, v13;
	v23 =	vadd.f32 v23, v9  }
0x57: {  	[tilespmem:v21+s16+$0x0] =	vst.idx.msk $0xffff, v25;
	v45 =	vadd.f32 v28, v9  }
0x58: {  	v46 =	vadd.f32 v31, v9;
	[tilespmem:v29+s16+$0x0] =	vst.idx.msk $0xffff, v23  }
0x59: {  	v47 =	vadd.f32 v32, v9;
	v48 =	vld [tilespmem:s25+$0x60];
	[tilespmem:v33+s16+$0x0] =	vst.idx.msk $0xffff, v45  }
0x5a: {  	v17 =	vadd.f32 v17, v6;
	v12 =	vadd.s32 v3, v12;
	[tilespmem:v34+s16+$0x0] =	vst.idx.msk $0xffff, v46;
	v21 =	vld [tilespmem:s25+$0xFFFFFFC0]  }
0x5b: {  	v16 =	vadd.f32 v16, v4;
	v49 =	vadd.s32 v1, v26;
	[tilespmem:v44+s16+$0x0] =	vst.idx.msk $0xffff, v47;
	v50 =	vld [tilespmem:s25+$0x10]  }
0x5c: {  	[tilespmem:v14+s16+$0x0] =	vst.idx.msk $0xffff, v17;
	v51 =	vadd.f32 v15, v4;
	v53 =	vadd.s32 v1, v27;
	v52 =	vld [tilespmem:s25+$0xFFFFFF70]  }
0x5d: {  	v54 =	vld [tilespmem:s24+$0x70];
	v18 =	vadd.f32 v18, v4;
	[tilespmem:v19+s16+$0x0] =	vst.idx.msk $0xffff, v16;
	v55 =	vadd.s32 v1, v30  }
0x5e: {  	v57 =	vadd.s32 v1, v13;
	v60 =	vld [tilespmem:s24+$0x20];
	[tilespmem:v20+s16+$0x0] =	vst.idx.msk $0xffff, v51;
	v58 =	vadd.f32 v48, v6  }
0x5f: {  	v59 =	vadd.s32 v2, v7;
	v56 =	vld [tilespmem:s24+$0xFFFFFFD0];
	[tilespmem:v12+s16+$0x0] =	vst.idx.msk $0xffff, v18;
	v61 =	vadd.f32 v21, v6  }
0x60: {  	v62 =	vld [tilespmem:s24+$0xFFFFFF80];
	v29 =	vadd.s32 v2, v11;
	[tilespmem:v49+s16+$0x0] =	vst.idx.msk $0xffff, v58;
	v28 =	vadd.f32 v50, v6  }
0x61: {  	v63 =	vadd.s32 v2, v10;
	v31 =	vadd.f32 v52, v6;
	v32 =	vld [tilespmem:s25+$0x70];
	[tilespmem:v53+s16+$0x0] =	vst.idx.msk $0xffff, v61  }
0x62: {  	v33 =	vadd.f32 v54, v5;
	v34 =	vadd.s32 v2, v8;
	[tilespmem:v55+s16+$0x0] =	vst.idx.msk $0xffff, v28;
	v35 =	vld [tilespmem:s25+$0xFFFFFFD0]  }
0x63: {  	v37 =	vadd.s32 v2, v26;
	v39 =	vadd.f32 v60, v5;
	[tilespmem:v57+s16+$0x0] =	vst.idx.msk $0xffff, v31;
	v38 =	vld [tilespmem:s25+$0x20]  }
0x64: {  	v41 =	vadd.s32 v2, v27;
	v36 =	vadd.f32 v56, v5;
	[tilespmem:v59+s16+$0x0] =	vst.idx.msk $0xffff, v33;
	v40 =	vld [tilespmem:s25+$0xFFFFFF80]  }
0x65: {  	v43 =	vadd.s32 v2, v30;
	v18 =	vadd.f32 v62, v5;
	v42 =	vld [tilespmem:s24+$0x80];
	[tilespmem:v29+s16+$0x0] =	vst.idx.msk $0xffff, v39  }
0x66: {  	v45 =	vadd.s32 v2, v13;
	[tilespmem:v63+s16+$0x0] =	vst.idx.msk $0xffff, v36;
	v47 =	vld [tilespmem:s24+$0x30];
	v44 =	vadd.f32 v32, v5  }
0x67: {  	v46 =	vadd.s32 v3, v7;
	[tilespmem:v34+s16+$0x0] =	vst.idx.msk $0xffff, v18;
	v21 =	vld [tilespmem:s24+$0xFFFFFFE0];
	v9 =	vadd.f32 v35, v5  }
0x68: {  	v18 =	vld [tilespmem:s24+$0xFFFFFF90];
	v50 =	vadd.s32 v3, v11;
	[tilespmem:v37+s16+$0x0] =	vst.idx.msk $0xffff, v44;
	v49 =	vadd.f32 v38, v5  }
0x69: {  	v48 =	vadd.s32 v3, v10;
	v5 =	vadd.f32 v40, v5;
	v12 =	vld [tilespmem:s25+$0x80];
	[tilespmem:v41+s16+$0x0] =	vst.idx.msk $0xffff, v9  }
0x6a: {  	v52 =	vadd.s32 v3, v8;
	v51 =	vadd.f32 v42, v4;
	[tilespmem:v43+s16+$0x0] =	vst.idx.msk $0xffff, v49;
	v53 =	vld [tilespmem:s25+$0xFFFFFFE0]  }
0x6b: {  	v55 =	vadd.s32 v3, v26;
	v56 =	vadd.f32 v47, v4;
	[tilespmem:v45+s16+$0x0] =	vst.idx.msk $0xffff, v5;
	v5 =	vld [tilespmem:s25+$0x30]  }
0x6c: {  	v58 =	vadd.s32 v3, v27;
	[tilespmem:v46+s16+$0x0] =	vst.idx.msk $0xffff, v51;
	v54 =	vadd.f32 v21, v4;
	v57 =	vld [tilespmem:s25+$0xFFFFFF90]  }
0x6d: {  	v60 =	vadd.s32 v3, v30;
	v59 =	vadd.f32 v18, v4;
	[tilespmem:v50+s16+$0x0] =	vst.idx.msk $0xffff, v56  }
0x6e: {  	v62 =	vadd.s32 v3, v13;
	[tilespmem:v48+s16+$0x0] =	vst.idx.msk $0xffff, v54;
	v61 =	vadd.f32 v12, v4  }
0x6f: {  	[tilespmem:v52+s16+$0x0] =	vst.idx.msk $0xffff, v59;
	v63 =	vadd.f32 v53, v4  }
0x70: {  	s25 =	sshll.u32 s22, $0x13;
	[tilespmem:v55+s16+$0x0] =	vst.idx.msk $0xffff, v61;
	v5 =	vadd.f32 v5, v4  }
0x71: {  	s24 =	sor.u32 s7, s25;
	v4 =	vadd.f32 v57, v4;
	[tilespmem:v58+s16+$0x0] =	vst.idx.msk $0xffff, v63  }
0x72: {  	s24 =	sshrl.u32 s24, $0x3;
	[tilespmem:v60+s16+$0x0] =	vst.idx.msk $0xffff, v5  }
0x73: {  	s26 =	simm.s32 $0xE600;
	s25 =	sadd.s32 s2, s24;
	[tilespmem:v62+s16+$0x0] =	vst.idx.msk $0xffff, v4  }
0x74: {  	[hbm4b:s25+s3] =	stream.linear.scatter [tilespmem:s26], [sflag:$0x3], $0x80, $0x38;
	[tilespmem:$0x12A00] =	vst v63  }
0x75: {  	s30 =	simm.s32 $0xE688;
	s31 =	sadd.s32 $0x10, s25  }
0x76: {  	[hbm4b:s31+s3] =	stream.linear.scatter [tilespmem:s30], [sflag:$0x3], $0x80, $0x38;
	[tilespmem:$0x12A00] =	vst v63  }
0x77: {  	s28 =	simm.s32 $0xE9B8;
	s30 =	simm.s32 $0xE710;
	s31 =	sadd.s32 $0x20, s25  }
0x78: {  	[hbm4b:s31+s3] =	stream.linear.scatter [tilespmem:s30], [sflag:$0x3], $0x80, $0x38;
	[tilespmem:$0x12A00] =	vst v63  }
0x79: {  	s24 =	simm.s32 $0x440;
	s30 =	simm.s32 $0xE798;
	s31 =	sadd.s32 $0x30, s25  }
0x7a: {  	[hbm4b:s31+s3] =	stream.linear.scatter [tilespmem:s30], [sflag:$0x3], $0x80, $0x38;
	[tilespmem:$0x12A00] =	vst v63  }
0x7b: {  	s29 =	sadd.s32 $0x70, s25;
	s30 =	simm.s32 $0xE820;
	s31 =	sadd.s32 $0x40, s25  }
0x7c: {  	[hbm4b:s31+s3] =	stream.linear.scatter [tilespmem:s30], [sflag:$0x3], $0x80, $0x38;
	[tilespmem:$0x12A00] =	vst v63  }
0x7d: {  	s26 =	simm.s32 $0x2200;
	s30 =	simm.s32 $0xE8A8;
	s31 =	sadd.s32 $0x50, s25  }
0x7e: {  	[hbm4b:s31+s3] =	stream.linear.scatter [tilespmem:s30], [sflag:$0x3], $0x80, $0x38;
	[tilespmem:$0x12A00] =	vst v63  }
0x7f: {  	s30 =	simm.s32 $0xE930;
	s31 =	sadd.s32 $0x60, s25;
	s25 =	sadd.s32 $0x1000, s25  }
0x80: {  	[hbm4b:s31+s3] =	stream.linear.scatter [tilespmem:s30], [sflag:$0x3], $0x80, $0x38;
	[tilespmem:$0x12A00] =	vst v63  }
.LBB2_5:
0x81: {  	[hbm4b:s29+s3] =	stream.linear.scatter [tilespmem:s28], [sflag:$0x3], $0x80, $0x38;
	[tilespmem:$0x12A00] =	vst v63  }
0x82: {  	s28 =	smov.u32 s24;
	s24 =	smov.u32 s26  }
0x83: {  	s30 =	sadd.s32 $0x1100, s26;
	s24 =	sshra.s32 s24, $0x2;
	s29 =	sadd.s32 $0xE600, s28  }
0x84: {  	[hbm4b:s25+s3] =	stream.linear.scatter [tilespmem:s29], [sflag:$0x3], $0x80, $0x38;
	[tilespmem:$0x12A00] =	vst v63  }
0x85: {  	p0 =	sne.s32 s26, $0x7700;
	s26 =	sadd.s32 $0xE688, s28;
	s29 =	sadd.s32 $0x10, s25  }
0x86: {  	[hbm4b:s29+s3] =	stream.linear.scatter [tilespmem:s26], [sflag:$0x3], $0x80, $0x38;
	[tilespmem:$0x12A00] =	vst v63  }
0x87: {  	s26 =	sadd.s32 $0xE710, s28;
	s29 =	sadd.s32 $0x20, s25  }
0x88: {  	[hbm4b:s29+s3] =	stream.linear.scatter [tilespmem:s26], [sflag:$0x3], $0x80, $0x38;
	[tilespmem:$0x12A00] =	vst v63  }
0x89: {  	s26 =	sadd.s32 $0xE798, s28;
	s29 =	sadd.s32 $0x30, s25  }
0x8a: {  	[hbm4b:s29+s3] =	stream.linear.scatter [tilespmem:s26], [sflag:$0x3], $0x80, $0x38;
	[tilespmem:$0x12A00] =	vst v63  }
0x8b: {  	s26 =	sadd.s32 $0xE820, s28;
	s29 =	sadd.s32 $0x40, s25  }
0x8c: {  	[hbm4b:s29+s3] =	stream.linear.scatter [tilespmem:s26], [sflag:$0x3], $0x80, $0x38;
	[tilespmem:$0x12A00] =	vst v63  }
.Ltmp1:
0x8d: {  	s26 =	sadd.s32 $0xE8A8, s28;
	s29 =	sadd.s32 $0x50, s25;
	(pc) =	sbr.rel @p0 .LBB2_5-.Ltmp1, $4  }
0x8e: {  	[hbm4b:s29+s3] =	stream.linear.scatter [tilespmem:s26], [sflag:$0x3], $0x80, $0x38;
	[tilespmem:$0x12A00] =	vst v63  }
0x8f: {  	s26 =	sadd.s32 $0xE930, s28;
	s29 =	sadd.s32 $0x60, s25;
	s28 =	sadd.s32 $0xE9B8, s28  }
0x90: {  	[hbm4b:s29+s3] =	stream.linear.scatter [tilespmem:s26], [sflag:$0x3], $0x80, $0x38;
	[tilespmem:$0x12A00] =	vst v63  }
0x91: {  	s29 =	sadd.s32 $0x70, s25;
	s25 =	sadd.s32 $0x1000, s25;
	s26 =	smov.u32 s30  }
0x92: {  	[hbm4b:s29+s3] =	stream.linear.scatter [tilespmem:s28], [sflag:$0x3], $0x80, $0x38;
	[tilespmem:$0x12A00] =	vst v63  }
0x93: {  	s26 =	sadd.s32 $0xE600, s24  }
0x94: {  	[hbm4b:s25+s3] =	stream.linear.scatter [tilespmem:s26], [sflag:$0x3], $0x80, $0x38;
	[tilespmem:$0x12A00] =	vst v63  }
0x95: {  	s31 =	sadd.s32 $0xE688, s24;
	s28 =	sadd.s32 $0x10, s25  }
0x96: {  	[hbm4b:s28+s3] =	stream.linear.scatter [tilespmem:s31], [sflag:$0x3], $0x80, $0x38;
	[tilespmem:$0x12A00] =	vst v63  }
0x97: {  	s29 =	sadd.s32 $0xE710, s24;
	s28 =	sadd.s32 $0x20, s25  }
0x98: {  	[hbm4b:s28+s3] =	stream.linear.scatter [tilespmem:s29], [sflag:$0x3], $0x80, $0x38;
	[tilespmem:$0x12A00] =	vst v63  }
0x99: {  	s30 =	sadd.s32 $0xE798, s24;
	s28 =	sadd.s32 $0x30, s25  }
0x9a: {  	[hbm4b:s28+s3] =	stream.linear.scatter [tilespmem:s30], [sflag:$0x3], $0x80, $0x38;
	[tilespmem:$0x12A00] =	vst v63  }
0x9b: {  	s31 =	sadd.s32 $0xE820, s24;
	s28 =	sadd.s32 $0x40, s25  }
0x9c: {  	[hbm4b:s28+s3] =	stream.linear.scatter [tilespmem:s31], [sflag:$0x3], $0x80, $0x38;
	[tilespmem:$0x12A00] =	vst v63  }
0x9d: {  	s29 =	sadd.s32 $0xE8A8, s24;
	s28 =	sadd.s32 $0x50, s25  }
0x9e: {  	[hbm4b:s28+s3] =	stream.linear.scatter [tilespmem:s29], [sflag:$0x3], $0x80, $0x38;
	[tilespmem:$0x12A00] =	vst v63  }
0x9f: {  	p0 =	seq.s32 s22, $0x63;
	s30 =	sadd.s32 $0xE930, s24;
	s28 =	sadd.s32 $0x60, s25  }
0xa0: {  	[hbm4b:s28+s3] =	stream.linear.scatter [tilespmem:s30], [sflag:$0x3], $0x80, $0x38;
	[tilespmem:$0x12A00] =	vst v63  }
0xa1: {  	s26 =	sadd.s32 $0x70, s25;
	s31 =	sadd.s32 $0xE9B8, s24;
	s24 =	simm.s32 @!p0 $0x3  }
0xa2: {  	[hbm4b:s26+s3] =	stream.linear.scatter [tilespmem:s31], [sflag:$0x3], $0x80, $0x38;
	[tilespmem:$0x12A00] =	vst v63  }
0xa3: {  	_ =	swait.ge @!p0 [sflag:s24], $0x2000  }
0xa4: {  	s25 =	sshll.u32 @!p0 s22, $0x8;
	[sflag:s24] =	ssyncset.done @!p0 $0x0  }
0xa5: {  	[sflag:s24] =	ssyncadd.s32 @!p0 $0xFFFFE000;
	s24 =	sand.u32 @!p0 $0x3FFFFF00, s25  }
0xa6: {  	s26 =	simm.s32 @!p0 $0x6400;
	s25 =	simm.s32 @!p0 $0x80;
	s24 =	sadd.s32 @!p0 $0x100, s24  }
0xa7: {  	[tilespmem:s26], [sflag:$0x1] =	stream.indirect.gather @!p0 [hbm4b:s4+s25], $0x50, s24, s25, $0xb8;
	[tilespmem:$0x12A00] =	vst v63  }
0xa8: {  	_ =	swait.ge [sflag:s17], $0x2800  }
0xa9: {  	s29 =	sshll.u32 s23, $0x6;
	[sflag:s17] =	ssyncset.done $0x0  }
0xaa: {  	s24 =	sand.u32 $0x3FFFFFC0, s29;
	[sflag:s17] =	ssyncadd.s32 $0xFFFFD800  }
0xab: {  	s28 =	simm.s32 $0x8CA0;
	s30 =	simm.s32 $0x3;
	v9 =	vld [tilespmem:s24+$0xB400]  }
0xac: {  	v4 =	vmov s30;
	v7 =	vld [tilespmem:s28+$0x50]  }
0xad: {  	v13 =	vand.u32 $0x7F, v4;
	s31 =	simm.s32 $0x0  }
0xae: {  	v8 =	vadd.s32 v0, v13;
	v4 =	vmov s31;
	v6 =	vld [tilespmem:s24+$0xB410]  }
0xaf: {  	v12 =	vand.u32 $0x7C, v4;
	s26 =	simm.s32 $0x1;
	v10 =	vld [tilespmem:s28+$0xFFFFFF60]  }
0xb0: {  	v15 =	vadd.s32 v0, v12;
	s29 =	simm.s32 $0x2;
	v4 =	vmov s26;
	v11 =	vld [tilespmem:s28+$0xFFFFFFB0]  }
0xb1: {  	v14 =	vmov s29;
	v19 =	vand.u32 $0x7D, v4;
	v16 =	vld [tilespmem:s28+$0x0];
	v7 =	vadd.f32 v7, v9  }
0xb2: {  	v20 =	vand.u32 $0x7E, v14;
	v17 =	vadd.s32 v0, v19;
	v5 =	vld [tilespmem:s24+$0xB420]  }
0xb3: {  	v14 =	vadd.s32 v0, v20;
	v4 =	vld [tilespmem:s24+$0xB430];
	[tilespmem:v8+s18+$0x0] =	vst.idx.msk $0xffff, v7  }
0xb4: {  	v7 =	vadd.f32 v10, v9;
	v8 =	vld [tilespmem:s28+$0x60]  }
0xb5: {  	v10 =	vadd.f32 v11, v9  }
0xb6: {  	v11 =	vadd.s32 v1, v13;
	[tilespmem:v15+s18+$0x0] =	vst.idx.msk $0xffff, v7;
	v7 =	vadd.f32 v16, v9  }
0xb7: {  	[tilespmem:v17+s18+$0x0] =	vst.idx.msk $0xffff, v10;
	v15 =	vld [tilespmem:s28+$0xFFFFFF70]  }
0xb8: {  	v10 =	vld [tilespmem:s28+$0xFFFFFFC0];
	[tilespmem:v14+s18+$0x0] =	vst.idx.msk $0xffff, v7  }
0xb9: {  	v14 =	vld [tilespmem:s28+$0x10];
	v7 =	vadd.f32 v8, v6  }
0xba: {  	s31 =	simm.s32 $0x7;
	s24 =	simm.s32 $0x8DE0;
	v16 =	vadd.s32 v1, v19  }
0xbb: {  	s30 =	simm.s32 $0x4;
	v26 =	vadd.s32 v2, v13;
	v18 =	vld [tilespmem:s24+$0x50];
	v17 =	vadd.s32 v1, v20;
	[tilespmem:v11+s18+$0x0] =	vst.idx.msk $0xffff, v7;
	v7 =	vmov s31  }
0xbc: {  	v21 =	vadd.s32 v1, v12;
	v8 =	vmov s30;
	v7 =	vand.u32 $0x7F, v7;
	v22 =	vld [tilespmem:s28+$0x70]  }
0xbd: {  	s29 =	simm.s32 $0x5;
	v23 =	vld [tilespmem:s24+$0xFFFFFF60];
	v8 =	vand.u32 $0x7C, v8;
	v10 =	vadd.f32 v10, v6;
	v24 =	vadd.s32 v0, v7  }
0xbe: {  	v25 =	vld [tilespmem:s24+$0xFFFFFFB0];
	s30 =	simm.s32 $0x6;
	v15 =	vadd.f32 v15, v6;
	v11 =	vadd.f32 v14, v6;
	v14 =	vmov s29  }
0xbf: {  	v27 =	vadd.s32 v0, v8;
	[tilespmem:v16+s18+$0x0] =	vst.idx.msk $0xffff, v10;
	v16 =	vmov s30;
	v10 =	vand.u32 $0x7D, v14;
	v14 =	vld [tilespmem:s24+$0x0]  }
0xc0: {  	[tilespmem:v17+s18+$0x0] =	vst.idx.msk $0xffff, v11;
	v17 =	vadd.s32 v0, v10;
	v11 =	vand.u32 $0x7E, v16;
	v16 =	vadd.f32 v18, v9;
	v18 =	vld [tilespmem:s28+$0xFFFFFFD0]  }
0xc1: {  	[tilespmem:v21+s18+$0x0] =	vst.idx.msk $0xffff, v15;
	v15 =	vadd.s32 v0, v11;
	v21 =	vld [tilespmem:s28+$0x20];
	v22 =	vadd.f32 v22, v5  }
0xc2: {  	v23 =	vadd.f32 v23, v9;
	[tilespmem:v24+s18+$0x0] =	vst.idx.msk $0xffff, v16;
	v16 =	vld [tilespmem:s28+$0xFFFFFF80];
	v24 =	vadd.s32 v2, v19  }
0xc3: {  	v29 =	vadd.s32 v2, v20;
	v25 =	vadd.f32 v25, v9;
	v28 =	vld [tilespmem:s24+$0x60];
	[tilespmem:v26+s18+$0x0] =	vst.idx.msk $0xffff, v22  }
0xc4: {  	[tilespmem:v27+s18+$0x0] =	vst.idx.msk $0xffff, v23;
	v23 =	vadd.s32 v2, v12;
	v14 =	vadd.f32 v14, v9;
	v26 =	vld [tilespmem:s28+$0x80]  }
0xc5: {  	v27 =	vld [tilespmem:s24+$0xFFFFFF70];
	[tilespmem:v17+s18+$0x0] =	vst.idx.msk $0xffff, v25;
	v25 =	vadd.s32 v1, v7;
	v18 =	vadd.f32 v18, v5  }
0xc6: {  	v31 =	vadd.s32 v3, v13;
	v30 =	vld [tilespmem:s24+$0xFFFFFFC0];
	[tilespmem:v15+s18+$0x0] =	vst.idx.msk $0xffff, v14;
	v14 =	vadd.f32 v21, v5  }
0xc7: {  	v22 =	vadd.s32 v1, v8;
	v17 =	vld [tilespmem:s24+$0x10];
	v13 =	vadd.f32 v16, v5;
	[tilespmem:v24+s18+$0x0] =	vst.idx.msk $0xffff, v18  }
0xc8: {  	s26 =	simm.s32 $0x8;
	v21 =	vadd.s32 v1, v10;
	[tilespmem:v29+s18+$0x0] =	vst.idx.msk $0xffff, v14;
	v18 =	vadd.f32 v28, v6;
	v16 =	vld [tilespmem:s28+$0xFFFFFFE0]  }
0xc9: {  	v24 =	vmov s26;
	v14 =	vadd.s32 v1, v11;
	v15 =	vld [tilespmem:s28+$0x30];
	[tilespmem:v23+s18+$0x0] =	vst.idx.msk $0xffff, v13;
	v63 =	vadd.f32 v26, v4  }
0xca: {  	s25 =	simm.s32 $0x8F20;
	s31 =	simm.s32 $0xB;
	v19 =	vadd.s32 v3, v19;
	v13 =	vand.u32 $0x7C, v24;
	v24 =	vadd.f32 v27, v6;
	[tilespmem:v25+s18+$0x0] =	vst.idx.msk $0xffff, v18;
	v18 =	vld [tilespmem:s28+$0xFFFFFF90]  }
0xcb: {  	v20 =	vadd.s32 v3, v20;
	v26 =	vmov s31;
	v23 =	vld [tilespmem:s25+$0x50];
	s28 =	simm.s32 $0xC;
	v25 =	vadd.f32 v30, v6;
	[tilespmem:v31+s18+$0x0] =	vst.idx.msk $0xffff, v63  }
.LBB2_7:
0xcc: {  	p0 =	slt.u32 s28, $0x7C;
	s29 =	sadd.s32 $0x1, s26;
	v26 =	vand.u32 $0x7F, v26;
	[tilespmem:v22+s18+$0x0] =	vst.idx.msk $0xffff, v24;
	v17 =	vadd.f32 v17, v6;
	v22 =	vld [tilespmem:s24+$0x70];
	v24 =	vadd.s32 v3, v12  }
0xcd: {  	v30 =	vmovc v11;
	v27 =	vld [tilespmem:s25+$0xFFFFFF60];
	v28 =	vmov s29;
	s29 =	sadd.s32 $0x2, s26;
	v29 =	vadd.s32 v0, v26;
	[tilespmem:v21+s18+$0x0] =	vst.idx.msk $0xffff, v25;
	v16 =	vadd.f32 v16, v4;
	s26 =	smov.u32 s28  }
0xce: {  	v12 =	vmovc v8;
	v21 =	vld [tilespmem:s25+$0xFFFFFFB0];
	v11 =	vmov s29;
	[tilespmem:v14+s18+$0x0] =	vst.idx.msk $0xffff, v17;
	v14 =	vadd.s32 v2, v7;
	v15 =	vadd.f32 v15, v4  }
0xcf: {  	v17 =	vadd.s32 v0, v13;
	v28 =	vand.u32 $0x7D, v28;
	v25 =	vld [tilespmem:s25+$0x0];
	v31 =	vadd.f32 v18, v4;
	[tilespmem:v19+s18+$0x0] =	vst.idx.msk $0xffff, v16  }
0xd0: {  	v16 =	vadd.s32 v0, v28;
	v11 =	vand.u32 $0x7E, v11;
	v18 =	vadd.f32 v23, v9;
	v19 =	vld [tilespmem:s24+$0xFFFFFFD0];
	[tilespmem:v20+s18+$0x0] =	vst.idx.msk $0xffff, v15  }
0xd1: {  	v8 =	vmov v13;
	v15 =	vadd.s32 v0, v11;
	v20 =	vld [tilespmem:s24+$0x20];
	v22 =	vadd.f32 v22, v5;
	[tilespmem:v24+s18+$0x0] =	vst.idx.msk $0xffff, v31  }
0xd2: {  	v23 =	vadd.s32 v2, v10;
	v13 =	vadd.f32 v27, v9;
	[tilespmem:v29+s18+$0x0] =	vst.idx.msk $0xffff, v18;
	v18 =	vld [tilespmem:s24+$0xFFFFFF80]  }
0xd3: {  	v27 =	vadd.s32 v2, v30;
	v21 =	vadd.f32 v21, v9;
	v24 =	vld [tilespmem:s25+$0x60];
	[tilespmem:v14+s18+$0x0] =	vst.idx.msk $0xffff, v22  }
0xd4: {  	[tilespmem:v17+s18+$0x0] =	vst.idx.msk $0xffff, v13;
	v13 =	vadd.f32 v25, v9;
	v25 =	vadd.s32 v2, v12;
	v29 =	vld [tilespmem:s24+$0x80]  }
0xd5: {  	v32 =	vadd.s32 v1, v26;
	v31 =	vld [tilespmem:s25+$0xFFFFFF70];
	[tilespmem:v16+s18+$0x0] =	vst.idx.msk $0xffff, v21;
	v14 =	vadd.f32 v19, v5  }
0xd6: {  	v34 =	vadd.s32 v3, v7;
	v7 =	vmov v26;
	v33 =	vld [tilespmem:s25+$0xFFFFFFC0];
	[tilespmem:v15+s18+$0x0] =	vst.idx.msk $0xffff, v13;
	v13 =	vadd.f32 v20, v5  }
.Ltmp2:
0xd7: {  	v22 =	vadd.s32 v1, v8;
	v17 =	vld [tilespmem:s25+$0x10];
	v15 =	vadd.f32 v18, v5;
	[tilespmem:v23+s18+$0x0] =	vst.idx.msk $0xffff, v14;
	(pc) =	sbr.rel @p0 .LBB2_7-.Ltmp2, $4  }
0xd8: {  	v21 =	vadd.s32 v1, v28;
	v18 =	vadd.f32 v24, v6;
	v16 =	vld [tilespmem:s24+$0xFFFFFFE0];
	[tilespmem:v27+s18+$0x0] =	vst.idx.msk $0xffff, v13  }
0xd9: {  	v14 =	vadd.s32 v1, v11;
	v13 =	vmov s28;
	[tilespmem:v25+s18+$0x0] =	vst.idx.msk $0xffff, v15;
	v15 =	vld [tilespmem:s24+$0x30];
	v27 =	vadd.f32 v29, v4  }
0xda: {  	s29 =	sadd.s32 $0x3, s28;
	v19 =	vadd.s32 v3, v10;
	v13 =	vand.u32 $0x7C, v13;
	v24 =	vadd.f32 v31, v6;
	[tilespmem:v32+s18+$0x0] =	vst.idx.msk $0xffff, v18;
	v18 =	vld [tilespmem:s24+$0xFFFFFF90];
	s24 =	smov.u32 s25;
	s25 =	sadd.s32 $0x140, s25  }
0xdb: {  	v26 =	vmov s29;
	v10 =	vmovc v28;
	v20 =	vadd.s32 v3, v30;
	s28 =	sadd.s32 $0x4, s28;
	v23 =	vld [tilespmem:s25+$0x50];
	v25 =	vadd.f32 v33, v6;
	[tilespmem:v34+s18+$0x0] =	vst.idx.msk $0xffff, v27  }
0xdc: {  	s28 =	sadd.s32 $0x1, s26  }
0xdd: {  	v26 =	vand.u32 $0x7F, v26;
	s31 =	sadd.s32 $0x2, s26;
	v28 =	vld [tilespmem:s25+$0xFFFFFFB0];
	v27 =	vmov s28  }
0xde: {  	v31 =	vld [tilespmem:s25+$0x0];
	v29 =	vadd.s32 v0, v26;
	v30 =	vmov s31;
	v27 =	vand.u32 $0x7D, v27  }
0xdf: {  	v32 =	vld [tilespmem:s25+$0xFFFFFF60];
	v30 =	vand.u32 $0x7E, v30;
	v33 =	vadd.s32 v0, v27  }
0xe0: {  	v34 =	vadd.s32 v0, v30  }
0xe1: {  	[tilespmem:v22+s18+$0x0] =	vst.idx.msk $0xffff, v24;
	v44 =	vadd.s32 v0, v13;
	v23 =	vadd.f32 v23, v9  }
0xe2: {  	[tilespmem:v21+s18+$0x0] =	vst.idx.msk $0xffff, v25;
	v45 =	vadd.f32 v28, v9  }
0xe3: {  	v46 =	vadd.f32 v31, v9;
	[tilespmem:v29+s18+$0x0] =	vst.idx.msk $0xffff, v23  }
0xe4: {  	v47 =	vadd.f32 v32, v9;
	v48 =	vld [tilespmem:s25+$0x60];
	[tilespmem:v33+s18+$0x0] =	vst.idx.msk $0xffff, v45  }
0xe5: {  	v17 =	vadd.f32 v17, v6;
	v12 =	vadd.s32 v3, v12;
	[tilespmem:v34+s18+$0x0] =	vst.idx.msk $0xffff, v46;
	v21 =	vld [tilespmem:s25+$0xFFFFFFC0]  }
0xe6: {  	v16 =	vadd.f32 v16, v4;
	v49 =	vadd.s32 v1, v26;
	[tilespmem:v44+s18+$0x0] =	vst.idx.msk $0xffff, v47;
	v50 =	vld [tilespmem:s25+$0x10]  }
0xe7: {  	[tilespmem:v14+s18+$0x0] =	vst.idx.msk $0xffff, v17;
	v51 =	vadd.f32 v15, v4;
	v53 =	vadd.s32 v1, v27;
	v52 =	vld [tilespmem:s25+$0xFFFFFF70]  }
0xe8: {  	v54 =	vld [tilespmem:s24+$0x70];
	v18 =	vadd.f32 v18, v4;
	[tilespmem:v19+s18+$0x0] =	vst.idx.msk $0xffff, v16;
	v55 =	vadd.s32 v1, v30  }
0xe9: {  	v57 =	vadd.s32 v1, v13;
	v60 =	vld [tilespmem:s24+$0x20];
	[tilespmem:v20+s18+$0x0] =	vst.idx.msk $0xffff, v51;
	v58 =	vadd.f32 v48, v6  }
0xea: {  	v59 =	vadd.s32 v2, v7;
	v56 =	vld [tilespmem:s24+$0xFFFFFFD0];
	[tilespmem:v12+s18+$0x0] =	vst.idx.msk $0xffff, v18;
	v61 =	vadd.f32 v21, v6  }
0xeb: {  	v62 =	vld [tilespmem:s24+$0xFFFFFF80];
	v29 =	vadd.s32 v2, v11;
	[tilespmem:v49+s18+$0x0] =	vst.idx.msk $0xffff, v58;
	v28 =	vadd.f32 v50, v6  }
0xec: {  	v63 =	vadd.s32 v2, v10;
	v31 =	vadd.f32 v52, v6;
	v32 =	vld [tilespmem:s25+$0x70];
	[tilespmem:v53+s18+$0x0] =	vst.idx.msk $0xffff, v61  }
0xed: {  	v33 =	vadd.f32 v54, v5;
	v34 =	vadd.s32 v2, v8;
	[tilespmem:v55+s18+$0x0] =	vst.idx.msk $0xffff, v28;
	v35 =	vld [tilespmem:s25+$0xFFFFFFD0]  }
0xee: {  	v37 =	vadd.s32 v2, v26;
	v39 =	vadd.f32 v60, v5;
	[tilespmem:v57+s18+$0x0] =	vst.idx.msk $0xffff, v31;
	v38 =	vld [tilespmem:s25+$0x20]  }
0xef: {  	v41 =	vadd.s32 v2, v27;
	v36 =	vadd.f32 v56, v5;
	[tilespmem:v59+s18+$0x0] =	vst.idx.msk $0xffff, v33;
	v40 =	vld [tilespmem:s25+$0xFFFFFF80]  }
0xf0: {  	v43 =	vadd.s32 v2, v30;
	v18 =	vadd.f32 v62, v5;
	v42 =	vld [tilespmem:s24+$0x80];
	[tilespmem:v29+s18+$0x0] =	vst.idx.msk $0xffff, v39  }
0xf1: {  	v45 =	vadd.s32 v2, v13;
	[tilespmem:v63+s18+$0x0] =	vst.idx.msk $0xffff, v36;
	v47 =	vld [tilespmem:s24+$0x30];
	v44 =	vadd.f32 v32, v5  }
0xf2: {  	v46 =	vadd.s32 v3, v7;
	[tilespmem:v34+s18+$0x0] =	vst.idx.msk $0xffff, v18;
	v21 =	vld [tilespmem:s24+$0xFFFFFFE0];
	v9 =	vadd.f32 v35, v5  }
0xf3: {  	v18 =	vld [tilespmem:s24+$0xFFFFFF90];
	v50 =	vadd.s32 v3, v11;
	[tilespmem:v37+s18+$0x0] =	vst.idx.msk $0xffff, v44;
	v49 =	vadd.f32 v38, v5  }
0xf4: {  	v48 =	vadd.s32 v3, v10;
	v5 =	vadd.f32 v40, v5;
	v12 =	vld [tilespmem:s25+$0x80];
	[tilespmem:v41+s18+$0x0] =	vst.idx.msk $0xffff, v9  }
0xf5: {  	v52 =	vadd.s32 v3, v8;
	v51 =	vadd.f32 v42, v4;
	[tilespmem:v43+s18+$0x0] =	vst.idx.msk $0xffff, v49;
	v53 =	vld [tilespmem:s25+$0xFFFFFFE0]  }
0xf6: {  	v55 =	vadd.s32 v3, v26;
	v56 =	vadd.f32 v47, v4;
	[tilespmem:v45+s18+$0x0] =	vst.idx.msk $0xffff, v5;
	v5 =	vld [tilespmem:s25+$0x30]  }
0xf7: {  	v58 =	vadd.s32 v3, v27;
	[tilespmem:v46+s18+$0x0] =	vst.idx.msk $0xffff, v51;
	v54 =	vadd.f32 v21, v4;
	v57 =	vld [tilespmem:s25+$0xFFFFFF90]  }
0xf8: {  	v60 =	vadd.s32 v3, v30;
	v59 =	vadd.f32 v18, v4;
	[tilespmem:v50+s18+$0x0] =	vst.idx.msk $0xffff, v56  }
0xf9: {  	v62 =	vadd.s32 v3, v13;
	[tilespmem:v48+s18+$0x0] =	vst.idx.msk $0xffff, v54;
	v61 =	vadd.f32 v12, v4  }
0xfa: {  	[tilespmem:v52+s18+$0x0] =	vst.idx.msk $0xffff, v59;
	v63 =	vadd.f32 v53, v4  }
0xfb: {  	s23 =	sshll.u32 s23, $0x12;
	[tilespmem:v55+s18+$0x0] =	vst.idx.msk $0xffff, v61;
	v5 =	vadd.f32 v5, v4  }
0xfc: {  	s23 =	sor.u32 s7, s23;
	v4 =	vadd.f32 v57, v4;
	[tilespmem:v58+s18+$0x0] =	vst.idx.msk $0xffff, v63  }
0xfd: {  	s23 =	sshrl.u32 s23, $0x3;
	[tilespmem:v60+s18+$0x0] =	vst.idx.msk $0xffff, v5  }
0xfe: {  	s24 =	sadd.s32 s2, s23;
	s25 =	simm.s32 $0x10800;
	[tilespmem:v62+s18+$0x0] =	vst.idx.msk $0xffff, v4  }
0xff: {  	[hbm4b:s24+s3] =	stream.linear.scatter [tilespmem:s25], [sflag:$0x4], $0x80, $0x38;
	[tilespmem:$0x12A00] =	vst v63  }
0x100: {  	s26 =	simm.s32 $0x10888;
	s29 =	sadd.s32 $0x10, s24  }
0x101: {  	[hbm4b:s29+s3] =	stream.linear.scatter [tilespmem:s26], [sflag:$0x4], $0x80, $0x38;
	[tilespmem:$0x12A00] =	vst v63  }
0x102: {  	s30 =	simm.s32 $0x10910;
	s23 =	simm.s32 $0x440;
	s31 =	sadd.s32 $0x20, s24  }
0x103: {  	[hbm4b:s31+s3] =	stream.linear.scatter [tilespmem:s30], [sflag:$0x4], $0x80, $0x38;
	[tilespmem:$0x12A00] =	vst v63  }
0x104: {  	s28 =	sadd.s32 $0x70, s24;
	s26 =	simm.s32 $0x10998;
	s29 =	sadd.s32 $0x30, s24  }
0x105: {  	[hbm4b:s29+s3] =	stream.linear.scatter [tilespmem:s26], [sflag:$0x4], $0x80, $0x38;
	[tilespmem:$0x12A00] =	vst v63  }
0x106: {  	s25 =	simm.s32 $0x2200;
	s30 =	simm.s32 $0x10A20;
	s31 =	sadd.s32 $0x40, s24  }
0x107: {  	[hbm4b:s31+s3] =	stream.linear.scatter [tilespmem:s30], [sflag:$0x4], $0x80, $0x38;
	[tilespmem:$0x12A00] =	vst v63  }
0x108: {  	s26 =	simm.s32 $0x10AA8;
	s29 =	sadd.s32 $0x50, s24;
	s30 =	simm.s32 $0x10B30  }
0x109: {  	[hbm4b:s29+s3] =	stream.linear.scatter [tilespmem:s26], [sflag:$0x4], $0x80, $0x38;
	[tilespmem:$0x12A00] =	vst v63  }
0x10a: {  	s31 =	sadd.s32 $0x60, s24;
	s24 =	sadd.s32 $0x1000, s24;
	s26 =	simm.s32 $0x10BB8  }
0x10b: {  	[hbm4b:s31+s3] =	stream.linear.scatter [tilespmem:s30], [sflag:$0x4], $0x80, $0x38;
	[tilespmem:$0x12A00] =	vst v63  }
.LBB2_9:
0x10c: {  	[hbm4b:s28+s3] =	stream.linear.scatter [tilespmem:s26], [sflag:$0x4], $0x80, $0x38;
	[tilespmem:$0x12A00] =	vst v63  }
0x10d: {  	s26 =	smov.u32 s23;
	s23 =	smov.u32 s25  }
0x10e: {  	s29 =	sadd.s32 $0x1100, s25;
	s23 =	sshra.s32 s23, $0x2;
	s28 =	sadd.s32 $0x10800, s26  }
0x10f: {  	[hbm4b:s24+s3] =	stream.linear.scatter [tilespmem:s28], [sflag:$0x4], $0x80, $0x38;
	[tilespmem:$0x12A00] =	vst v63  }
0x110: {  	p0 =	sne.s32 s25, $0x7700;
	s25 =	sadd.s32 $0x10888, s26;
	s28 =	sadd.s32 $0x10, s24  }
0x111: {  	[hbm4b:s28+s3] =	stream.linear.scatter [tilespmem:s25], [sflag:$0x4], $0x80, $0x38;
	[tilespmem:$0x12A00] =	vst v63  }
0x112: {  	s25 =	sadd.s32 $0x10910, s26;
	s28 =	sadd.s32 $0x20, s24  }
0x113: {  	[hbm4b:s28+s3] =	stream.linear.scatter [tilespmem:s25], [sflag:$0x4], $0x80, $0x38;
	[tilespmem:$0x12A00] =	vst v63  }
0x114: {  	s25 =	sadd.s32 $0x10998, s26;
	s28 =	sadd.s32 $0x30, s24  }
0x115: {  	[hbm4b:s28+s3] =	stream.linear.scatter [tilespmem:s25], [sflag:$0x4], $0x80, $0x38;
	[tilespmem:$0x12A00] =	vst v63  }
0x116: {  	s25 =	sadd.s32 $0x10A20, s26;
	s28 =	sadd.s32 $0x40, s24  }
0x117: {  	[hbm4b:s28+s3] =	stream.linear.scatter [tilespmem:s25], [sflag:$0x4], $0x80, $0x38;
	[tilespmem:$0x12A00] =	vst v63  }
.Ltmp3:
0x118: {  	s25 =	sadd.s32 $0x10AA8, s26;
	s28 =	sadd.s32 $0x50, s24;
	(pc) =	sbr.rel @p0 .LBB2_9-.Ltmp3, $4  }
0x119: {  	[hbm4b:s28+s3] =	stream.linear.scatter [tilespmem:s25], [sflag:$0x4], $0x80, $0x38;
	[tilespmem:$0x12A00] =	vst v63  }
0x11a: {  	s25 =	sadd.s32 $0x10B30, s26;
	s28 =	sadd.s32 $0x60, s24;
	s26 =	sadd.s32 $0x10BB8, s26  }
0x11b: {  	[hbm4b:s28+s3] =	stream.linear.scatter [tilespmem:s25], [sflag:$0x4], $0x80, $0x38;
	[tilespmem:$0x12A00] =	vst v63  }
0x11c: {  	s28 =	sadd.s32 $0x70, s24;
	s24 =	sadd.s32 $0x1000, s24;
	s25 =	smov.u32 s29  }
0x11d: {  	[hbm4b:s28+s3] =	stream.linear.scatter [tilespmem:s26], [sflag:$0x4], $0x80, $0x38;
	[tilespmem:$0x12A00] =	vst v63  }
0x11e: {  	s25 =	sadd.s32 $0x10800, s23  }
0x11f: {  	[hbm4b:s24+s3] =	stream.linear.scatter [tilespmem:s25], [sflag:$0x4], $0x80, $0x38;
	[tilespmem:$0x12A00] =	vst v63  }
0x120: {  	s30 =	sadd.s32 $0x10888, s23;
	s31 =	sadd.s32 $0x10, s24  }
0x121: {  	[hbm4b:s31+s3] =	stream.linear.scatter [tilespmem:s30], [sflag:$0x4], $0x80, $0x38;
	[tilespmem:$0x12A00] =	vst v63  }
0x122: {  	s28 =	sadd.s32 $0x10910, s23;
	s29 =	sadd.s32 $0x20, s24  }
0x123: {  	[hbm4b:s29+s3] =	stream.linear.scatter [tilespmem:s28], [sflag:$0x4], $0x80, $0x38;
	[tilespmem:$0x12A00] =	vst v63  }
0x124: {  	s30 =	sadd.s32 $0x10998, s23;
	s31 =	sadd.s32 $0x30, s24  }
0x125: {  	[hbm4b:s31+s3] =	stream.linear.scatter [tilespmem:s30], [sflag:$0x4], $0x80, $0x38;
	[tilespmem:$0x12A00] =	vst v63  }
0x126: {  	s22 =	sadd.s32 $0x1, s22;
	s28 =	sadd.s32 $0x10A20, s23;
	s29 =	sadd.s32 $0x40, s24  }
0x127: {  	[hbm4b:s29+s3] =	stream.linear.scatter [tilespmem:s28], [sflag:$0x4], $0x80, $0x38;
	[tilespmem:$0x12A00] =	vst v63  }
0x128: {  	p0 =	sne.s32 s22, $0x64;
	s30 =	sadd.s32 $0x10AA8, s23;
	s31 =	sadd.s32 $0x50, s24  }
0x129: {  	[hbm4b:s31+s3] =	stream.linear.scatter [tilespmem:s30], [sflag:$0x4], $0x80, $0x38;
	[tilespmem:$0x12A00] =	vst v63  }
.Ltmp4:
0x12a: {  	_ = 	snop;
	(pc) =	sbr.rel @p0 .LBB2_2-.Ltmp4, $4  }
0x12b: {  	s28 =	sadd.s32 $0x10B30, s23;
	s29 =	sadd.s32 $0x60, s24  }
0x12c: {  	[hbm4b:s29+s3] =	stream.linear.scatter [tilespmem:s28], [sflag:$0x4], $0x80, $0x38;
	[tilespmem:$0x12A00] =	vst v63  }
0x12d: {  	s30 =	sadd.s32 $0x10BB8, s23;
	s31 =	sadd.s32 $0x70, s24  }
0x12e: {  	[hbm4b:s31+s3] =	stream.linear.scatter [tilespmem:s30], [sflag:$0x4], $0x80, $0x38;
	[tilespmem:$0x12A00] =	vst v63  }
0x12f: {  	s21 =	sadd.s32 $0x1, s21  }
0x130: {  	_ =	swait.ge [sflag:s19], $0x2000;
	p0 =	sne.s32 s21, s8  }
.Ltmp5:
0x131: {  	[sflag:s19] =	ssyncset.done $0x0;
	(pc) =	sbr.rel @p0 .LBB2_1-.Ltmp5, $4  }
0x132: {  	[sflag:s19] =	ssyncadd.s32 $0xFFFFE000  }
0x133: {  	_ =	swait.ge [sflag:s20], $0x2000  }
0x134: {  	[sflag:s20] =	ssyncset.done $0x0  }
0x135: {  	[sflag:s20] =	ssyncadd.s32 $0xFFFFE000  }
0x136: {  	_ =	sfence.sel $0x180000  }
0x137: {  	[bflag:$0x0] =	sbarrier.arrive $0xFFFF  }
0x138: {  	p0 =	sne.s32 s1, $0x0;
	_ =	strace $0x9000004A  }
0x139: {  	s0 =	sadd.s32 @!p0 $0x100000, s0;
	[bflag:$0x2] =	sbarrier.arrive $0xFFFF  }
0x13a: {  	[sflag:s0] =	ssyncadd.tile.s32 @!p0 $0x1;
	_ =	shalt  }
.Lfunc_end2:
_tile_overlayer_lowered:
.L_overlay_start_2:
0x13b: {  	(tag) =	ssettag $0x2  }
0x13c: {  	s0 =	rddreg [dreg:$0x0];
	s2 =	stileid.u32  }
0x13d: {  	s1 =	rddreg [dreg:$0x1];
	p0 =	sne.s32 s2, $0x0  }
0x13e: {  	s3 =	rddreg [dreg:$0x2];
	[bflag:$0x3] =	sbarrier.arrive $0xFFFF;
	s2 =	simm.s32 @!p0 $0x1C05  }
0x13f: {  	[timem:s3], [sflag:s2] =	dma.local @!p0 [hbm:s0], s1  }
0x140: {  	s0 =	simm.s32 @!p0 $0x5  }
0x141: {  	_ =	swait.ge @!p0 [sflag:s0], s1  }
0x142: {  	s1 =	ssub.s32 @!p0 $0x0, s1;
	[sflag:s0] =	ssyncset.done @!p0 $0x0  }
0x143: {  	[sflag:s0] =	ssyncadd.s32 @!p0 s1  }
0x144: {  	[bflag:$0x3] =	sbarrier.arrive $0xFFFF  }
0x145: {  	_ =	shalt  }

</sc_bundles>
